<compile_context>
chip_gen: v7x
topology: tpu7x:2x2x1
jax: 0.10.2.dev20260603
libtpu: 0.0.44.dev20260713+nightly
codegen_flags: <defaults>
</compile_context>

<pallas_src>
import functools

import jax
import jax.numpy as jnp
from jax import lax
from jax.experimental import pallas as pl
from jax.experimental.pallas import tpu as pltpu
from jax.experimental.pallas import tpu_sc as plsc


_LANES = 16


@functools.cache
def _build(batch: int, seq_len: int, d_model: int):
    info = plsc.get_sparse_core_info()
    nc, ns = info.num_cores, info.num_subcores
    nw = nc * ns
    pos_per_w = seq_len // nw
    chunk = 8
    rows_ring = 6
    stage_ring = 6
    n_qq = pos_per_w // chunk
    n_chunks = n_qq * batch
    mesh = plsc.VectorSubcoreMesh(core_axis_name="c", subcore_axis_name="s")

    @functools.partial(
        pl.kernel,
        out_type=jax.ShapeDtypeStruct((batch, seq_len, d_model), jnp.float32),
        mesh=mesh,
        scratch_types=[
            pltpu.VMEM((batch, pos_per_w), jnp.int32),
            pltpu.VMEM((rows_ring * chunk, d_model), jnp.float32),
            pltpu.VMEM((2 * chunk, d_model), jnp.float32),
            pltpu.VMEM((stage_ring * chunk, d_model), jnp.float32),
            pltpu.SemaphoreType.DMA,
            pltpu.SemaphoreType.DMA,
            pltpu.SemaphoreType.DMA,
        ],
    )
    def emb(x_hbm, tok_hbm, pos_hbm, out_hbm, idx_v, rows_v, pos_v, stage_v,
            gsem, psem, ssem):
        wid = lax.axis_index("s") * nc + lax.axis_index("c")
        s0 = wid * pos_per_w
        idx_copies = [
            pltpu.async_copy(x_hbm.at[bb, pl.ds(s0, pos_per_w)], idx_v.at[bb], ssem)
            for bb in range(batch)
        ]
        for cp in idx_copies:
            cp.wait()

        def gather_desc(t):
            qq, bb = t // batch, t % batch
            slot = (t % rows_ring) * chunk
            return pltpu.make_async_copy(
                tok_hbm.at[idx_v.at[bb, pl.ds(qq * chunk, chunk)]],
                rows_v.at[pl.ds(slot, chunk)],
                gsem,
            )

        def pos_desc(qq):
            half = (qq % 2) * chunk
            return pltpu.make_async_copy(
                pos_hbm.at[pl.ds(s0 + qq * chunk, chunk)],
                pos_v.at[pl.ds(half, chunk)],
                psem,
            )

        def store_desc(t):
            qq, bb = t // batch, t % batch
            half = (t % stage_ring) * chunk
            return pltpu.make_async_copy(
                stage_v.at[pl.ds(half, chunk)],
                out_hbm.at[bb, pl.ds(s0 + qq * chunk, chunk)],
                ssem,
            )

        for t0 in range(rows_ring):
            gather_desc(t0).start()
        pos_desc(0).start()

        @pl.loop(0, n_chunks)
        def _(t):
            qq = t // batch
            bb = lax.rem(t, batch)
            gslot = lax.rem(t, rows_ring) * chunk
            half = lax.rem(t, stage_ring) * chunk
            phalf = lax.rem(qq, 2) * chunk

            @pl.when(bb == 0)
            def _():
                pos_desc(qq).wait()

            gather_desc(t).wait()

            @pl.when(t >= stage_ring)
            def _():
                store_desc(t - stage_ring).wait()

            @plsc.parallel_loop(0, chunk * d_model, _LANES, unroll=16)
            def _(i):
                r = i // d_model
                col = i % d_model
                stage_v[half + r, pl.ds(col, _LANES)] = (
                    rows_v[gslot + r, pl.ds(col, _LANES)]
                    + pos_v[phalf + r, pl.ds(col, _LANES)]
                )

            store_desc(t).start()

            @pl.when(t + rows_ring < n_chunks)
            def _():
                gather_desc(t + rows_ring).start()

            @pl.when(jnp.logical_and(bb == 1, qq + 1 < n_qq))
            def _():
                pos_desc(qq + 1).start()

        for t0 in range(n_chunks - stage_ring, n_chunks):
            store_desc(t0).wait()

    return emb


def kernel(x, token_table, pos_table):
    batch, seq_len = x.shape
    d_model = token_table.shape[1]
    emb = _build(batch, seq_len, d_model)
    return emb(x.astype(jnp.int32), token_table, pos_table)

# --- scband reference (transcript-rebuilt; emitter-appended) ---
"""Pipeline reference for scband-embedding-50302656970855 (READ-ONLY COPY).

The authoritative reference and input builder live on the scoring server;
editing this copy changes nothing except your own understanding.
"""

import jax, jax.numpy as jnp
import numpy as np

VOCAB = 100000
D_MODEL = 1024
SEQ_LEN = 2048
BATCH = 4


def setup_inputs(seed: int = 0) -> dict:
    key = jax.random.key(seed)
    k1, k2, k3 = jax.random.split(key, 3)
    x = jax.random.randint(k1, (BATCH, SEQ_LEN), 0, VOCAB, dtype=jnp.int64 if jax.config.jax_enable_x64 else jnp.int32)
    token_table = jax.random.normal(k2, (VOCAB, D_MODEL), dtype=jnp.float32) * 0.02
    pos_table = jax.random.normal(k3, (SEQ_LEN, D_MODEL), dtype=jnp.float32) * 0.02
    return {"x": x, "token_table": token_table, "pos_table": pos_table}


def reference(x, token_table, pos_table):
    # token embedding gather
    tok_embeds = jnp.take(token_table, x, axis=0)  # [B, S, D]
    # positional embedding gather
    seq_len = x.shape[1]
    pos_ids = jnp.arange(seq_len)
    pos_embeds = jnp.take(pos_table, pos_ids, axis=0)[None, :, :]  # [1, S, D]
    # dropout p=0.0 -> identity (eval mode)
    return tok_embeds + pos_embeds

if __name__ == "__main__":
    import jax
    _d = setup_inputs()
    print(jax.jit(kernel)(*tuple(_d.values())))

</pallas_src>

<mosaic_0001>
#map = affine_map<(d0, d1) -> (0, 0)>
#map1 = affine_map<(d0, d1) -> (0, 0, 0)>
module attributes {stable_mosaic.version = 14 : i64} {
  func.func @emb(%arg0: i32, %arg1: i32, %arg2: memref<4x2048xi32, #tpu.memory_space<hbm>>, %arg3: memref<100000x1024xf32, #tpu.memory_space<hbm>>, %arg4: memref<2048x1024xf32, #tpu.memory_space<hbm>>, %arg5: memref<4x2048x1024xf32, #tpu.memory_space<hbm>>, %arg6: memref<4x64xi32, #tpu.memory_space<vmem>>, %arg7: memref<48x1024xf32, #tpu.memory_space<vmem>>, %arg8: memref<16x1024xf32, #tpu.memory_space<vmem>>, %arg9: memref<48x1024xf32, #tpu.memory_space<vmem>>, %arg10: memref<!tpu.dma_semaphore, #tpu.memory_space<semaphore_mem>>, %arg11: memref<!tpu.dma_semaphore, #tpu.memory_space<semaphore_mem>>, %arg12: memref<!tpu.dma_semaphore, #tpu.memory_space<semaphore_mem>>) attributes {dimension_semantics = [#tpu.dimension_semantics<core_parallel>, #tpu.dimension_semantics<subcore_parallel>], iteration_bounds = array<i64: 2, 16>, scalar_prefetch = 0 : i64, scratch_operands = 7 : i64, tpu.core_type = #tpu.core_type<sc_vector_subcore>, window_params = [{transform_indices = #map}, {transform_indices = #map}, {transform_indices = #map}, {transform_indices = #map1}]} {
    %mul3A = arith.constant 2 : i32
    %mul3A_0 = arith.muli %arg1, %mul3A : i32
    %add3A = arith.addi %mul3A_0, %arg0 : i32
    %mul3A_1 = arith.constant 64 : i32
    %mul3A_2 = arith.muli %add3A, %mul3A_1 : i32
    %dma_start3A = arith.constant 0 : i32
    %dma_start3A_3 = arith.constant 0 : i32
    %dma_start3A_4 = arith.constant 0 : i32
    %dma_start3A_5 = tpu.memref_slice %arg6[%dma_start3A_3, %dma_start3A_4] : memref<4x64xi32, #tpu.memory_space<vmem>> -> memref<1x64xi32, #tpu.memory_space<vmem>>
    %dma_start3A_6 = tpu.memref_squeeze %dma_start3A_5 : memref<1x64xi32, #tpu.memory_space<vmem>> -> memref<64xi32, #tpu.memory_space<vmem>>
    %dma_start3A_7 = tpu.memref_slice %arg2[%dma_start3A, %mul3A_2] : memref<4x2048xi32, #tpu.memory_space<hbm>> -> memref<1x64xi32, #tpu.memory_space<hbm>>
    %dma_start3A_8 = tpu.memref_squeeze %dma_start3A_7 : memref<1x64xi32, #tpu.memory_space<hbm>> -> memref<64xi32, #tpu.memory_space<hbm>>
    %dma_start3A_9 = arith.constant 0 : i32
    %dma_start3A_10 = tpu.memref_slice %arg6[%dma_start3A_3, %dma_start3A_9] : memref<4x64xi32, #tpu.memory_space<vmem>> -> memref<1x64xi32, #tpu.memory_space<vmem>>
    %dma_start3A_11 = tpu.memref_squeeze %dma_start3A_10 : memref<1x64xi32, #tpu.memory_space<vmem>> -> memref<64xi32, #tpu.memory_space<vmem>>
    %dma_start3A_12 = tpu.memref_slice %arg2[%dma_start3A, %mul3A_2] : memref<4x2048xi32, #tpu.memory_space<hbm>> -> memref<1x64xi32, #tpu.memory_space<hbm>>
    %dma_start3A_13 = tpu.memref_squeeze %dma_start3A_12 : memref<1x64xi32, #tpu.memory_space<hbm>> -> memref<64xi32, #tpu.memory_space<hbm>>
    tpu.enqueue_dma source(%dma_start3A_13 : memref<64xi32, #tpu.memory_space<hbm>>) target(%dma_start3A_11 : memref<64xi32, #tpu.memory_space<vmem>>) target_semaphore(%arg12 : memref<!tpu.dma_semaphore, #tpu.memory_space<semaphore_mem>>)
    %dma_start3A_14 = arith.constant 1 : i32
    %dma_start3A_15 = arith.constant 1 : i32
    %dma_start3A_16 = arith.constant 0 : i32
    %dma_start3A_17 = tpu.memref_slice %arg6[%dma_start3A_15, %dma_start3A_16] : memref<4x64xi32, #tpu.memory_space<vmem>> -> memref<1x64xi32, #tpu.memory_space<vmem>>
    %dma_start3A_18 = tpu.memref_squeeze %dma_start3A_17 : memref<1x64xi32, #tpu.memory_space<vmem>> -> memref<64xi32, #tpu.memory_space<vmem>>
    %dma_start3A_19 = tpu.memref_slice %arg2[%dma_start3A_14, %mul3A_2] : memref<4x2048xi32, #tpu.memory_space<hbm>> -> memref<1x64xi32, #tpu.memory_space<hbm>>
    %dma_start3A_20 = tpu.memref_squeeze %dma_start3A_19 : memref<1x64xi32, #tpu.memory_space<hbm>> -> memref<64xi32, #tpu.memory_space<hbm>>
    %dma_start3A_21 = arith.constant 0 : i32
    %dma_start3A_22 = tpu.memref_slice %arg6[%dma_start3A_15, %dma_start3A_21] : memref<4x64xi32, #tpu.memory_space<vmem>> -> memref<1x64xi32, #tpu.memory_space<vmem>>
    %dma_start3A_23 = tpu.memref_squeeze %dma_start3A_22 : memref<1x64xi32, #tpu.memory_space<vmem>> -> memref<64xi32, #tpu.memory_space<vmem>>
    %dma_start3A_24 = tpu.memref_slice %arg2[%dma_start3A_14, %mul3A_2] : memref<4x2048xi32, #tpu.memory_space<hbm>> -> memref<1x64xi32, #tpu.memory_space<hbm>>
    %dma_start3A_25 = tpu.memref_squeeze %dma_start3A_24 : memref<1x64xi32, #tpu.memory_space<hbm>> -> memref<64xi32, #tpu.memory_space<hbm>>
    tpu.enqueue_dma source(%dma_start3A_25 : memref<64xi32, #tpu.memory_space<hbm>>) target(%dma_start3A_23 : memref<64xi32, #tpu.memory_space<vmem>>) target_semaphore(%arg12 : memref<!tpu.dma_semaphore, #tpu.memory_space<semaphore_mem>>)
    %dma_start3A_26 = arith.constant 2 : i32
    %dma_start3A_27 = arith.constant 2 : i32
    %dma_start3A_28 = arith.constant 0 : i32
    %dma_start3A_29 = tpu.memref_slice %arg6[%dma_start3A_27, %dma_start3A_28] : memref<4x64xi32, #tpu.memory_space<vmem>> -> memref<1x64xi32, #tpu.memory_space<vmem>>
    %dma_start3A_30 = tpu.memref_squeeze %dma_start3A_29 : memref<1x64xi32, #tpu.memory_space<vmem>> -> memref<64xi32, #tpu.memory_space<vmem>>
    %dma_start3A_31 = tpu.memref_slice %arg2[%dma_start3A_26, %mul3A_2] : memref<4x2048xi32, #tpu.memory_space<hbm>> -> memref<1x64xi32, #tpu.memory_space<hbm>>
    %dma_start3A_32 = tpu.memref_squeeze %dma_start3A_31 : memref<1x64xi32, #tpu.memory_space<hbm>> -> memref<64xi32, #tpu.memory_space<hbm>>
    %dma_start3A_33 = arith.constant 0 : i32
    %dma_start3A_34 = tpu.memref_slice %arg6[%dma_start3A_27, %dma_start3A_33] : memref<4x64xi32, #tpu.memory_space<vmem>> -> memref<1x64xi32, #tpu.memory_space<vmem>>
    %dma_start3A_35 = tpu.memref_squeeze %dma_start3A_34 : memref<1x64xi32, #tpu.memory_space<vmem>> -> memref<64xi32, #tpu.memory_space<vmem>>
    %dma_start3A_36 = tpu.memref_slice %arg2[%dma_start3A_26, %mul3A_2] : memref<4x2048xi32, #tpu.memory_space<hbm>> -> memref<1x64xi32, #tpu.memory_space<hbm>>
    %dma_start3A_37 = tpu.memref_squeeze %dma_start3A_36 : memref<1x64xi32, #tpu.memory_space<hbm>> -> memref<64xi32, #tpu.memory_space<hbm>>
    tpu.enqueue_dma source(%dma_start3A_37 : memref<64xi32, #tpu.memory_space<hbm>>) target(%dma_start3A_35 : memref<64xi32, #tpu.memory_space<vmem>>) target_semaphore(%arg12 : memref<!tpu.dma_semaphore, #tpu.memory_space<semaphore_mem>>)
    %dma_start3A_38 = arith.constant 3 : i32
    %dma_start3A_39 = arith.constant 3 : i32
    %dma_start3A_40 = arith.constant 0 : i32
    %dma_start3A_41 = tpu.memref_slice %arg6[%dma_start3A_39, %dma_start3A_40] : memref<4x64xi32, #tpu.memory_space<vmem>> -> memref<1x64xi32, #tpu.memory_space<vmem>>
    %dma_start3A_42 = tpu.memref_squeeze %dma_start3A_41 : memref<1x64xi32, #tpu.memory_space<vmem>> -> memref<64xi32, #tpu.memory_space<vmem>>
    %dma_start3A_43 = tpu.memref_slice %arg2[%dma_start3A_38, %mul3A_2] : memref<4x2048xi32, #tpu.memory_space<hbm>> -> memref<1x64xi32, #tpu.memory_space<hbm>>
    %dma_start3A_44 = tpu.memref_squeeze %dma_start3A_43 : memref<1x64xi32, #tpu.memory_space<hbm>> -> memref<64xi32, #tpu.memory_space<hbm>>
    %dma_start3A_45 = arith.constant 0 : i32
    %dma_start3A_46 = tpu.memref_slice %arg6[%dma_start3A_39, %dma_start3A_45] : memref<4x64xi32, #tpu.memory_space<vmem>> -> memref<1x64xi32, #tpu.memory_space<vmem>>
    %dma_start3A_47 = tpu.memref_squeeze %dma_start3A_46 : memref<1x64xi32, #tpu.memory_space<vmem>> -> memref<64xi32, #tpu.memory_space<vmem>>
    %dma_start3A_48 = tpu.memref_slice %arg2[%dma_start3A_38, %mul3A_2] : memref<4x2048xi32, #tpu.memory_space<hbm>> -> memref<1x64xi32, #tpu.memory_space<hbm>>
    %dma_start3A_49 = tpu.memref_squeeze %dma_start3A_48 : memref<1x64xi32, #tpu.memory_space<hbm>> -> memref<64xi32, #tpu.memory_space<hbm>>
    tpu.enqueue_dma source(%dma_start3A_49 : memref<64xi32, #tpu.memory_space<hbm>>) target(%dma_start3A_47 : memref<64xi32, #tpu.memory_space<vmem>>) target_semaphore(%arg12 : memref<!tpu.dma_semaphore, #tpu.memory_space<semaphore_mem>>)
    %dma_wait3A = arith.constant 0 : i32
    %dma_wait3A_50 = arith.constant 0 : i32
    %dma_wait3A_51 = arith.constant 0 : i32
    %dma_wait3A_52 = tpu.memref_slice %arg6[%dma_wait3A_50, %dma_wait3A_51] : memref<4x64xi32, #tpu.memory_space<vmem>> -> memref<1x64xi32, #tpu.memory_space<vmem>>
    %dma_wait3A_53 = tpu.memref_squeeze %dma_wait3A_52 : memref<1x64xi32, #tpu.memory_space<vmem>> -> memref<64xi32, #tpu.memory_space<vmem>>
    %dma_wait3A_54 = tpu.memref_slice %arg2[%dma_wait3A, %mul3A_2] : memref<4x2048xi32, #tpu.memory_space<hbm>> -> memref<1x64xi32, #tpu.memory_space<hbm>>
    %dma_wait3A_55 = tpu.memref_squeeze %dma_wait3A_54 : memref<1x64xi32, #tpu.memory_space<hbm>> -> memref<64xi32, #tpu.memory_space<hbm>>
    %dma_wait3A_56 = arith.constant 0 : i32
    %dma_wait3A_57 = tpu.memref_slice %arg6[%dma_wait3A_50, %dma_wait3A_56] : memref<4x64xi32, #tpu.memory_space<vmem>> -> memref<1x64xi32, #tpu.memory_space<vmem>>
    %dma_wait3A_58 = tpu.memref_squeeze %dma_wait3A_57 : memref<1x64xi32, #tpu.memory_space<vmem>> -> memref<64xi32, #tpu.memory_space<vmem>>
    %dma_wait3A_59 = tpu.memref_slice %arg2[%dma_wait3A, %mul3A_2] : memref<4x2048xi32, #tpu.memory_space<hbm>> -> memref<1x64xi32, #tpu.memory_space<hbm>>
    %dma_wait3A_60 = tpu.memref_squeeze %dma_wait3A_59 : memref<1x64xi32, #tpu.memory_space<hbm>> -> memref<64xi32, #tpu.memory_space<hbm>>
    tpu.wait_dma2 semaphore(%arg12 : memref<!tpu.dma_semaphore, #tpu.memory_space<semaphore_mem>>) src(%dma_wait3A_60 : memref<64xi32, #tpu.memory_space<hbm>>) dst(%dma_wait3A_58 : memref<64xi32, #tpu.memory_space<vmem>>)
    %dma_wait3A_61 = arith.constant 1 : i32
    %dma_wait3A_62 = arith.constant 1 : i32
    %dma_wait3A_63 = arith.constant 0 : i32
    %dma_wait3A_64 = tpu.memref_slice %arg6[%dma_wait3A_62, %dma_wait3A_63] : memref<4x64xi32, #tpu.memory_space<vmem>> -> memref<1x64xi32, #tpu.memory_space<vmem>>
    %dma_wait3A_65 = tpu.memref_squeeze %dma_wait3A_64 : memref<1x64xi32, #tpu.memory_space<vmem>> -> memref<64xi32, #tpu.memory_space<vmem>>
    %dma_wait3A_66 = tpu.memref_slice %arg2[%dma_wait3A_61, %mul3A_2] : memref<4x2048xi32, #tpu.memory_space<hbm>> -> memref<1x64xi32, #tpu.memory_space<hbm>>
    %dma_wait3A_67 = tpu.memref_squeeze %dma_wait3A_66 : memref<1x64xi32, #tpu.memory_space<hbm>> -> memref<64xi32, #tpu.memory_space<hbm>>
    %dma_wait3A_68 = arith.constant 0 : i32
    %dma_wait3A_69 = tpu.memref_slice %arg6[%dma_wait3A_62, %dma_wait3A_68] : memref<4x64xi32, #tpu.memory_space<vmem>> -> memref<1x64xi32, #tpu.memory_space<vmem>>
    %dma_wait3A_70 = tpu.memref_squeeze %dma_wait3A_69 : memref<1x64xi32, #tpu.memory_space<vmem>> -> memref<64xi32, #tpu.memory_space<vmem>>
    %dma_wait3A_71 = tpu.memref_slice %arg2[%dma_wait3A_61, %mul3A_2] : memref<4x2048xi32, #tpu.memory_space<hbm>> -> memref<1x64xi32, #tpu.memory_space<hbm>>
    %dma_wait3A_72 = tpu.memref_squeeze %dma_wait3A_71 : memref<1x64xi32, #tpu.memory_space<hbm>> -> memref<64xi32, #tpu.memory_space<hbm>>
    tpu.wait_dma2 semaphore(%arg12 : memref<!tpu.dma_semaphore, #tpu.memory_space<semaphore_mem>>) src(%dma_wait3A_72 : memref<64xi32, #tpu.memory_space<hbm>>) dst(%dma_wait3A_70 : memref<64xi32, #tpu.memory_space<vmem>>)
    %dma_wait3A_73 = arith.constant 2 : i32
    %dma_wait3A_74 = arith.constant 2 : i32
    %dma_wait3A_75 = arith.constant 0 : i32
    %dma_wait3A_76 = tpu.memref_slice %arg6[%dma_wait3A_74, %dma_wait3A_75] : memref<4x64xi32, #tpu.memory_space<vmem>> -> memref<1x64xi32, #tpu.memory_space<vmem>>
    %dma_wait3A_77 = tpu.memref_squeeze %dma_wait3A_76 : memref<1x64xi32, #tpu.memory_space<vmem>> -> memref<64xi32, #tpu.memory_space<vmem>>
    %dma_wait3A_78 = tpu.memref_slice %arg2[%dma_wait3A_73, %mul3A_2] : memref<4x2048xi32, #tpu.memory_space<hbm>> -> memref<1x64xi32, #tpu.memory_space<hbm>>
    %dma_wait3A_79 = tpu.memref_squeeze %dma_wait3A_78 : memref<1x64xi32, #tpu.memory_space<hbm>> -> memref<64xi32, #tpu.memory_space<hbm>>
    %dma_wait3A_80 = arith.constant 0 : i32
    %dma_wait3A_81 = tpu.memref_slice %arg6[%dma_wait3A_74, %dma_wait3A_80] : memref<4x64xi32, #tpu.memory_space<vmem>> -> memref<1x64xi32, #tpu.memory_space<vmem>>
    %dma_wait3A_82 = tpu.memref_squeeze %dma_wait3A_81 : memref<1x64xi32, #tpu.memory_space<vmem>> -> memref<64xi32, #tpu.memory_space<vmem>>
    %dma_wait3A_83 = tpu.memref_slice %arg2[%dma_wait3A_73, %mul3A_2] : memref<4x2048xi32, #tpu.memory_space<hbm>> -> memref<1x64xi32, #tpu.memory_space<hbm>>
    %dma_wait3A_84 = tpu.memref_squeeze %dma_wait3A_83 : memref<1x64xi32, #tpu.memory_space<hbm>> -> memref<64xi32, #tpu.memory_space<hbm>>
    tpu.wait_dma2 semaphore(%arg12 : memref<!tpu.dma_semaphore, #tpu.memory_space<semaphore_mem>>) src(%dma_wait3A_84 : memref<64xi32, #tpu.memory_space<hbm>>) dst(%dma_wait3A_82 : memref<64xi32, #tpu.memory_space<vmem>>)
    %dma_wait3A_85 = arith.constant 3 : i32
    %dma_wait3A_86 = arith.constant 3 : i32
    %dma_wait3A_87 = arith.constant 0 : i32
    %dma_wait3A_88 = tpu.memref_slice %arg6[%dma_wait3A_86, %dma_wait3A_87] : memref<4x64xi32, #tpu.memory_space<vmem>> -> memref<1x64xi32, #tpu.memory_space<vmem>>
    %dma_wait3A_89 = tpu.memref_squeeze %dma_wait3A_88 : memref<1x64xi32, #tpu.memory_space<vmem>> -> memref<64xi32, #tpu.memory_space<vmem>>
    %dma_wait3A_90 = tpu.memref_slice %arg2[%dma_wait3A_85, %mul3A_2] : memref<4x2048xi32, #tpu.memory_space<hbm>> -> memref<1x64xi32, #tpu.memory_space<hbm>>
    %dma_wait3A_91 = tpu.memref_squeeze %dma_wait3A_90 : memref<1x64xi32, #tpu.memory_space<hbm>> -> memref<64xi32, #tpu.memory_space<hbm>>
    %dma_wait3A_92 = arith.constant 0 : i32
    %dma_wait3A_93 = tpu.memref_slice %arg6[%dma_wait3A_86, %dma_wait3A_92] : memref<4x64xi32, #tpu.memory_space<vmem>> -> memref<1x64xi32, #tpu.memory_space<vmem>>
    %dma_wait3A_94 = tpu.memref_squeeze %dma_wait3A_93 : memref<1x64xi32, #tpu.memory_space<vmem>> -> memref<64xi32, #tpu.memory_space<vmem>>
    %dma_wait3A_95 = tpu.memref_slice %arg2[%dma_wait3A_85, %mul3A_2] : memref<4x2048xi32, #tpu.memory_space<hbm>> -> memref<1x64xi32, #tpu.memory_space<hbm>>
    %dma_wait3A_96 = tpu.memref_squeeze %dma_wait3A_95 : memref<1x64xi32, #tpu.memory_space<hbm>> -> memref<64xi32, #tpu.memory_space<hbm>>
    tpu.wait_dma2 semaphore(%arg12 : memref<!tpu.dma_semaphore, #tpu.memory_space<semaphore_mem>>) src(%dma_wait3A_96 : memref<64xi32, #tpu.memory_space<hbm>>) dst(%dma_wait3A_94 : memref<64xi32, #tpu.memory_space<vmem>>)
    %dma_start3A_97 = arith.constant 0 : i32
    %dma_start3A_98 = arith.constant 0 : i32
    %dma_start3A_99 = arith.constant 0 : i32
    %dma_start3A_100 = tpu.memref_slice %arg7[%dma_start3A_98, %dma_start3A_99] : memref<48x1024xf32, #tpu.memory_space<vmem>> -> memref<8x1024xf32, #tpu.memory_space<vmem>>
    %dma_start3A_101 = arith.constant 0 : i32
    %dma_start3A_102 = tpu.memref_slice %arg6[%dma_start3A_97, %dma_start3A_101] : memref<4x64xi32, #tpu.memory_space<vmem>> -> memref<1x8xi32, #tpu.memory_space<vmem>>
    %dma_start3A_103 = tpu.memref_squeeze %dma_start3A_102 : memref<1x8xi32, #tpu.memory_space<vmem>> -> memref<8xi32, #tpu.memory_space<vmem>>
    %dma_start3A_104 = arith.constant 0 : i32
    %dma_start3A_105 = arith.constant 0 : i32
    %dma_start3A_106 = tpu.memref_slice %arg3[%dma_start3A_104, %dma_start3A_105] : memref<100000x1024xf32, #tpu.memory_space<hbm>> -> memref<100000x1024xf32, #tpu.memory_space<hbm>>
    tpu.enqueue_indirect_dma source(%dma_start3A_106 : memref<100000x1024xf32, #tpu.memory_space<hbm>>) target(%dma_start3A_100 : memref<8x1024xf32, #tpu.memory_space<vmem>>) offsets(%dma_start3A_103 : memref<8xi32, #tpu.memory_space<vmem>>) semaphore(%arg10 : memref<!tpu.dma_semaphore, #tpu.memory_space<semaphore_mem>>)
    %dma_start3A_107 = arith.constant 1 : i32
    %dma_start3A_108 = arith.constant 8 : i32
    %dma_start3A_109 = arith.constant 0 : i32
    %dma_start3A_110 = tpu.memref_slice %arg7[%dma_start3A_108, %dma_start3A_109] : memref<48x1024xf32, #tpu.memory_space<vmem>> -> memref<8x1024xf32, #tpu.memory_space<vmem>>
    %dma_start3A_111 = arith.constant 0 : i32
    %dma_start3A_112 = tpu.memref_slice %arg6[%dma_start3A_107, %dma_start3A_111] : memref<4x64xi32, #tpu.memory_space<vmem>> -> memref<1x8xi32, #tpu.memory_space<vmem>>
    %dma_start3A_113 = tpu.memref_squeeze %dma_start3A_112 : memref<1x8xi32, #tpu.memory_space<vmem>> -> memref<8xi32, #tpu.memory_space<vmem>>
    %dma_start3A_114 = arith.constant 0 : i32
    %dma_start3A_115 = arith.constant 0 : i32
    %dma_start3A_116 = tpu.memref_slice %arg3[%dma_start3A_114, %dma_start3A_115] : memref<100000x1024xf32, #tpu.memory_space<hbm>> -> memref<100000x1024xf32, #tpu.memory_space<hbm>>
    tpu.enqueue_indirect_dma source(%dma_start3A_116 : memref<100000x1024xf32, #tpu.memory_space<hbm>>) target(%dma_start3A_110 : memref<8x1024xf32, #tpu.memory_space<vmem>>) offsets(%dma_start3A_113 : memref<8xi32, #tpu.memory_space<vmem>>) semaphore(%arg10 : memref<!tpu.dma_semaphore, #tpu.memory_space<semaphore_mem>>)
    %dma_start3A_117 = arith.constant 2 : i32
    %dma_start3A_118 = arith.constant 16 : i32
    %dma_start3A_119 = arith.constant 0 : i32
    %dma_start3A_120 = tpu.memref_slice %arg7[%dma_start3A_118, %dma_start3A_119] : memref<48x1024xf32, #tpu.memory_space<vmem>> -> memref<8x1024xf32, #tpu.memory_space<vmem>>
    %dma_start3A_121 = arith.constant 0 : i32
    %dma_start3A_122 = tpu.memref_slice %arg6[%dma_start3A_117, %dma_start3A_121] : memref<4x64xi32, #tpu.memory_space<vmem>> -> memref<1x8xi32, #tpu.memory_space<vmem>>
    %dma_start3A_123 = tpu.memref_squeeze %dma_start3A_122 : memref<1x8xi32, #tpu.memory_space<vmem>> -> memref<8xi32, #tpu.memory_space<vmem>>
    %dma_start3A_124 = arith.constant 0 : i32
    %dma_start3A_125 = arith.constant 0 : i32
    %dma_start3A_126 = tpu.memref_slice %arg3[%dma_start3A_124, %dma_start3A_125] : memref<100000x1024xf32, #tpu.memory_space<hbm>> -> memref<100000x1024xf32, #tpu.memory_space<hbm>>
    tpu.enqueue_indirect_dma source(%dma_start3A_126 : memref<100000x1024xf32, #tpu.memory_space<hbm>>) target(%dma_start3A_120 : memref<8x1024xf32, #tpu.memory_space<vmem>>) offsets(%dma_start3A_123 : memref<8xi32, #tpu.memory_space<vmem>>) semaphore(%arg10 : memref<!tpu.dma_semaphore, #tpu.memory_space<semaphore_mem>>)
    %dma_start3A_127 = arith.constant 3 : i32
    %dma_start3A_128 = arith.constant 24 : i32
    %dma_start3A_129 = arith.constant 0 : i32
    %dma_start3A_130 = tpu.memref_slice %arg7[%dma_start3A_128, %dma_start3A_129] : memref<48x1024xf32, #tpu.memory_space<vmem>> -> memref<8x1024xf32, #tpu.memory_space<vmem>>
    %dma_start3A_131 = arith.constant 0 : i32
    %dma_start3A_132 = tpu.memref_slice %arg6[%dma_start3A_127, %dma_start3A_131] : memref<4x64xi32, #tpu.memory_space<vmem>> -> memref<1x8xi32, #tpu.memory_space<vmem>>
    %dma_start3A_133 = tpu.memref_squeeze %dma_start3A_132 : memref<1x8xi32, #tpu.memory_space<vmem>> -> memref<8xi32, #tpu.memory_space<vmem>>
    %dma_start3A_134 = arith.constant 0 : i32
    %dma_start3A_135 = arith.constant 0 : i32
    %dma_start3A_136 = tpu.memref_slice %arg3[%dma_start3A_134, %dma_start3A_135] : memref<100000x1024xf32, #tpu.memory_space<hbm>> -> memref<100000x1024xf32, #tpu.memory_space<hbm>>
    tpu.enqueue_indirect_dma source(%dma_start3A_136 : memref<100000x1024xf32, #tpu.memory_space<hbm>>) target(%dma_start3A_130 : memref<8x1024xf32, #tpu.memory_space<vmem>>) offsets(%dma_start3A_133 : memref<8xi32, #tpu.memory_space<vmem>>) semaphore(%arg10 : memref<!tpu.dma_semaphore, #tpu.memory_space<semaphore_mem>>)
    %dma_start3A_137 = arith.constant 0 : i32
    %dma_start3A_138 = arith.constant 32 : i32
    %dma_start3A_139 = arith.constant 0 : i32
    %dma_start3A_140 = tpu.memref_slice %arg7[%dma_start3A_138, %dma_start3A_139] : memref<48x1024xf32, #tpu.memory_space<vmem>> -> memref<8x1024xf32, #tpu.memory_space<vmem>>
    %dma_start3A_141 = arith.constant 8 : i32
    %dma_start3A_142 = tpu.memref_slice %arg6[%dma_start3A_137, %dma_start3A_141] : memref<4x64xi32, #tpu.memory_space<vmem>> -> memref<1x8xi32, #tpu.memory_space<vmem>>
    %dma_start3A_143 = tpu.memref_squeeze %dma_start3A_142 : memref<1x8xi32, #tpu.memory_space<vmem>> -> memref<8xi32, #tpu.memory_space<vmem>>
    %dma_start3A_144 = arith.constant 0 : i32
    %dma_start3A_145 = arith.constant 0 : i32
    %dma_start3A_146 = tpu.memref_slice %arg3[%dma_start3A_144, %dma_start3A_145] : memref<100000x1024xf32, #tpu.memory_space<hbm>> -> memref<100000x1024xf32, #tpu.memory_space<hbm>>
    tpu.enqueue_indirect_dma source(%dma_start3A_146 : memref<100000x1024xf32, #tpu.memory_space<hbm>>) target(%dma_start3A_140 : memref<8x1024xf32, #tpu.memory_space<vmem>>) offsets(%dma_start3A_143 : memref<8xi32, #tpu.memory_space<vmem>>) semaphore(%arg10 : memref<!tpu.dma_semaphore, #tpu.memory_space<semaphore_mem>>)
    %dma_start3A_147 = arith.constant 1 : i32
    %dma_start3A_148 = arith.constant 40 : i32
    %dma_start3A_149 = arith.constant 0 : i32
    %dma_start3A_150 = tpu.memref_slice %arg7[%dma_start3A_148, %dma_start3A_149] : memref<48x1024xf32, #tpu.memory_space<vmem>> -> memref<8x1024xf32, #tpu.memory_space<vmem>>
    %dma_start3A_151 = arith.constant 8 : i32
    %dma_start3A_152 = tpu.memref_slice %arg6[%dma_start3A_147, %dma_start3A_151] : memref<4x64xi32, #tpu.memory_space<vmem>> -> memref<1x8xi32, #tpu.memory_space<vmem>>
    %dma_start3A_153 = tpu.memref_squeeze %dma_start3A_152 : memref<1x8xi32, #tpu.memory_space<vmem>> -> memref<8xi32, #tpu.memory_space<vmem>>
    %dma_start3A_154 = arith.constant 0 : i32
    %dma_start3A_155 = arith.constant 0 : i32
    %dma_start3A_156 = tpu.memref_slice %arg3[%dma_start3A_154, %dma_start3A_155] : memref<100000x1024xf32, #tpu.memory_space<hbm>> -> memref<100000x1024xf32, #tpu.memory_space<hbm>>
    tpu.enqueue_indirect_dma source(%dma_start3A_156 : memref<100000x1024xf32, #tpu.memory_space<hbm>>) target(%dma_start3A_150 : memref<8x1024xf32, #tpu.memory_space<vmem>>) offsets(%dma_start3A_153 : memref<8xi32, #tpu.memory_space<vmem>>) semaphore(%arg10 : memref<!tpu.dma_semaphore, #tpu.memory_space<semaphore_mem>>)
    %add3A_157 = arith.constant 0 : i32
    %add3A_158 = arith.addi %mul3A_2, %add3A_157 : i32
    %dma_start3A_159 = arith.constant 0 : i32
    %dma_start3A_160 = arith.constant 0 : i32
    %dma_start3A_161 = tpu.memref_slice %arg8[%dma_start3A_159, %dma_start3A_160] : memref<16x1024xf32, #tpu.memory_space<vmem>> -> memref<8x1024xf32, #tpu.memory_space<vmem>>
    %dma_start3A_162 = arith.constant 0 : i32
    %dma_start3A_163 = tpu.memref_slice %arg4[%add3A_158, %dma_start3A_162] : memref<2048x1024xf32, #tpu.memory_space<hbm>> -> memref<8x1024xf32, #tpu.memory_space<hbm>>
    %dma_start3A_164 = arith.constant 0 : i32
    %dma_start3A_165 = arith.constant 0 : i32
    %dma_start3A_166 = tpu.memref_slice %arg8[%dma_start3A_164, %dma_start3A_165] : memref<16x1024xf32, #tpu.memory_space<vmem>> -> memref<8x1024xf32, #tpu.memory_space<vmem>>
    %dma_start3A_167 = arith.constant 0 : i32
    %dma_start3A_168 = tpu.memref_slice %arg4[%add3A_158, %dma_start3A_167] : memref<2048x1024xf32, #tpu.memory_space<hbm>> -> memref<8x1024xf32, #tpu.memory_space<hbm>>
    tpu.enqueue_dma source(%dma_start3A_168 : memref<8x1024xf32, #tpu.memory_space<hbm>>) target(%dma_start3A_166 : memref<8x1024xf32, #tpu.memory_space<vmem>>) target_semaphore(%arg11 : memref<!tpu.dma_semaphore, #tpu.memory_space<semaphore_mem>>)
    %scan3A = arith.constant 0 : i32
    %scan3A_169 = arith.constant 32 : i32
    %scan3A_170 = arith.addi %scan3A, %scan3A_169 : i32
    %scan3A_171 = arith.constant 1 : i32
    scf.for %scan3A_263 = %scan3A to %scan3A_170 step %scan3A_171  : i32 {
      %mul3A_264 = arith.constant 1 : i32
      %mul3A_265 = arith.muli %scan3A_263, %mul3A_264 : i32
      %add3A_266 = arith.constant 0 : i32
      %add3A_267 = arith.addi %add3A_266, %mul3A_265 : i32
      %jit3A = arith.constant 4 : i32
      %div3A = arith.divsi %add3A_267, %jit3A : i32
      %sign3A = arith.constant 0 : i32
      %sign3A_268 = arith.cmpi sgt, %add3A_267, %sign3A : i32
      %sign3A_269 = arith.extui %sign3A_268 : i1 to i32
      %sign3A_270 = arith.constant 0 : i32
      %sign3A_271 = arith.cmpi slt, %add3A_267, %sign3A_270 : i32
      %sign3A_272 = arith.extui %sign3A_271 : i1 to i32
      %sign3A_273 = arith.subi %sign3A_269, %sign3A_272 : i32
      %sign3A_274 = arith.constant 0 : i32
      %sign3A_275 = arith.cmpi sgt, %jit3A, %sign3A_274 : i32
      %sign3A_276 = arith.extui %sign3A_275 : i1 to i32
      %sign3A_277 = arith.constant 0 : i32
      %sign3A_278 = arith.cmpi slt, %jit3A, %sign3A_277 : i32
      %sign3A_279 = arith.extui %sign3A_278 : i1 to i32
      %sign3A_280 = arith.subi %sign3A_276, %sign3A_279 : i32
      %ne3A = arith.cmpi ne, %sign3A_273, %sign3A_280 : i32
      %rem3A = arith.remsi %add3A_267, %jit3A : i32
      %ne3A_281 = arith.constant 0 : i32
      %ne3A_282 = arith.cmpi ne, %rem3A, %ne3A_281 : i32
      %and3A = arith.andi %ne3A, %ne3A_282 : i1
      %sub3A = arith.constant 1 : i32
      %sub3A_283 = arith.subi %div3A, %sub3A : i32
      %select_n3A = arith.select %and3A, %sub3A_283, %div3A : i32
      %rem3A_284 = arith.constant 4 : i32
      %rem3A_285 = arith.remsi %add3A_267, %rem3A_284 : i32
      %rem3A_286 = arith.constant 6 : i32
      %rem3A_287 = arith.remsi %add3A_267, %rem3A_286 : i32
      %mul3A_288 = arith.constant 8 : i32
      %mul3A_289 = arith.muli %rem3A_287, %mul3A_288 : i32
      %rem3A_290 = arith.constant 6 : i32
      %rem3A_291 = arith.remsi %add3A_267, %rem3A_290 : i32
      %mul3A_292 = arith.constant 8 : i32
      %mul3A_293 = arith.muli %rem3A_291, %mul3A_292 : i32
      %rem3A_294 = arith.constant 2 : i32
      %rem3A_295 = arith.remsi %select_n3A, %rem3A_294 : i32
      %mul3A_296 = arith.constant 8 : i32
      %mul3A_297 = arith.muli %rem3A_295, %mul3A_296 : i32
      %eq3A = arith.constant 0 : i32
      %eq3A_298 = arith.cmpi eq, %rem3A_285, %eq3A : i32
      %convert_element_type3A = arith.extui %eq3A_298 : i1 to i32
      %cond3A = arith.constant 0 : i32
      %cond3A_299 = arith.cmpi ne, %convert_element_type3A, %cond3A : i32
      scf.if %cond3A_299 {
        %jit3A_460 = arith.constant 2 : i32
        %eq3A_461 = arith.constant 0 : i32
        %eq3A_462 = arith.cmpi eq, %jit3A_460, %eq3A_461 : i32
        %jit3A_463 = arith.constant 1 : i32
        %select_n3A_464 = arith.select %eq3A_462, %jit3A_463, %jit3A_460 : i32
        %rem3A_465 = arith.remsi %select_n3A, %select_n3A_464 : i32
        %ne3A_466 = arith.constant 0 : i32
        %ne3A_467 = arith.cmpi ne, %rem3A_465, %ne3A_466 : i32
        %lt3A_468 = arith.constant 0 : i32
        %lt3A_469 = arith.cmpi slt, %rem3A_465, %lt3A_468 : i32
        %lt3A_470 = arith.constant 0 : i32
        %lt3A_471 = arith.cmpi slt, %select_n3A_464, %lt3A_470 : i32
        %ne3A_472 = arith.xori %lt3A_469, %lt3A_471 : i1
        %and3A_473 = arith.andi %ne3A_472, %ne3A_467 : i1
        %add3A_474 = arith.addi %rem3A_465, %select_n3A_464 : i32
        %select_n3A_475 = arith.select %and3A_473, %add3A_474, %rem3A_465 : i32
        %mul3A_476 = arith.constant 8 : i32
        %mul3A_477 = arith.muli %select_n3A_475, %mul3A_476 : i32
        %mul3A_478 = arith.constant 8 : i32
        %mul3A_479 = arith.muli %select_n3A, %mul3A_478 : i32
        %add3A_480 = arith.addi %mul3A_2, %mul3A_479 : i32
        %dma_wait3A_481 = arith.constant 0 : i32
        %dma_wait3A_482 = tpu.memref_slice %arg8[%mul3A_477, %dma_wait3A_481] : memref<16x1024xf32, #tpu.memory_space<vmem>> -> memref<8x1024xf32, #tpu.memory_space<vmem>>
        %dma_wait3A_483 = arith.constant 0 : i32
        %dma_wait3A_484 = tpu.memref_slice %arg4[%add3A_480, %dma_wait3A_483] : memref<2048x1024xf32, #tpu.memory_space<hbm>> -> memref<8x1024xf32, #tpu.memory_space<hbm>>
        %dma_wait3A_485 = arith.constant 0 : i32
        %dma_wait3A_486 = tpu.memref_slice %arg8[%mul3A_477, %dma_wait3A_485] : memref<16x1024xf32, #tpu.memory_space<vmem>> -> memref<8x1024xf32, #tpu.memory_space<vmem>>
        %dma_wait3A_487 = arith.constant 0 : i32
        %dma_wait3A_488 = tpu.memref_slice %arg4[%add3A_480, %dma_wait3A_487] : memref<2048x1024xf32, #tpu.memory_space<hbm>> -> memref<8x1024xf32, #tpu.memory_space<hbm>>
        tpu.wait_dma2 semaphore(%arg11 : memref<!tpu.dma_semaphore, #tpu.memory_space<semaphore_mem>>) src(%dma_wait3A_488 : memref<8x1024xf32, #tpu.memory_space<hbm>>) dst(%dma_wait3A_486 : memref<8x1024xf32, #tpu.memory_space<vmem>>)
      } else {
      }
      %jit3A_300 = arith.constant 4 : i32
      %div3A_301 = arith.divsi %add3A_267, %jit3A_300 : i32
      %sign3A_302 = arith.constant 0 : i32
      %sign3A_303 = arith.cmpi sgt, %add3A_267, %sign3A_302 : i32
      %sign3A_304 = arith.extui %sign3A_303 : i1 to i32
      %sign3A_305 = arith.constant 0 : i32
      %sign3A_306 = arith.cmpi slt, %add3A_267, %sign3A_305 : i32
      %sign3A_307 = arith.extui %sign3A_306 : i1 to i32
      %sign3A_308 = arith.subi %sign3A_304, %sign3A_307 : i32
      %sign3A_309 = arith.constant 0 : i32
      %sign3A_310 = arith.cmpi sgt, %jit3A_300, %sign3A_309 : i32
      %sign3A_311 = arith.extui %sign3A_310 : i1 to i32
      %sign3A_312 = arith.constant 0 : i32
      %sign3A_313 = arith.cmpi slt, %jit3A_300, %sign3A_312 : i32
      %sign3A_314 = arith.extui %sign3A_313 : i1 to i32
      %sign3A_315 = arith.subi %sign3A_311, %sign3A_314 : i32
      %ne3A_316 = arith.cmpi ne, %sign3A_308, %sign3A_315 : i32
      %rem3A_317 = arith.remsi %add3A_267, %jit3A_300 : i32
      %ne3A_318 = arith.constant 0 : i32
      %ne3A_319 = arith.cmpi ne, %rem3A_317, %ne3A_318 : i32
      %and3A_320 = arith.andi %ne3A_316, %ne3A_319 : i1
      %sub3A_321 = arith.constant 1 : i32
      %sub3A_322 = arith.subi %div3A_301, %sub3A_321 : i32
      %select_n3A_323 = arith.select %and3A_320, %sub3A_322, %div3A_301 : i32
      %jit3A_324 = arith.constant 4 : i32
      %eq3A_325 = arith.constant 0 : i32
      %eq3A_326 = arith.cmpi eq, %jit3A_324, %eq3A_325 : i32
      %jit3A_327 = arith.constant 1 : i32
      %select_n3A_328 = arith.select %eq3A_326, %jit3A_327, %jit3A_324 : i32
      %rem3A_329 = arith.remsi %add3A_267, %select_n3A_328 : i32
      %ne3A_330 = arith.constant 0 : i32
      %ne3A_331 = arith.cmpi ne, %rem3A_329, %ne3A_330 : i32
      %lt3A = arith.constant 0 : i32
      %lt3A_332 = arith.cmpi slt, %rem3A_329, %lt3A : i32
      %lt3A_333 = arith.constant 0 : i32
      %lt3A_334 = arith.cmpi slt, %select_n3A_328, %lt3A_333 : i32
      %ne3A_335 = arith.xori %lt3A_332, %lt3A_334 : i1
      %and3A_336 = arith.andi %ne3A_335, %ne3A_331 : i1
      %add3A_337 = arith.addi %rem3A_329, %select_n3A_328 : i32
      %select_n3A_338 = arith.select %and3A_336, %add3A_337, %rem3A_329 : i32
      %jit3A_339 = arith.constant 6 : i32
      %eq3A_340 = arith.constant 0 : i32
      %eq3A_341 = arith.cmpi eq, %jit3A_339, %eq3A_340 : i32
      %jit3A_342 = arith.constant 1 : i32
      %select_n3A_343 = arith.select %eq3A_341, %jit3A_342, %jit3A_339 : i32
      %rem3A_344 = arith.remsi %add3A_267, %select_n3A_343 : i32
      %ne3A_345 = arith.constant 0 : i32
      %ne3A_346 = arith.cmpi ne, %rem3A_344, %ne3A_345 : i32
      %lt3A_347 = arith.constant 0 : i32
      %lt3A_348 = arith.cmpi slt, %rem3A_344, %lt3A_347 : i32
      %lt3A_349 = arith.constant 0 : i32
      %lt3A_350 = arith.cmpi slt, %select_n3A_343, %lt3A_349 : i32
      %ne3A_351 = arith.xori %lt3A_348, %lt3A_350 : i1
      %and3A_352 = arith.andi %ne3A_351, %ne3A_346 : i1
      %add3A_353 = arith.addi %rem3A_344, %select_n3A_343 : i32
      %select_n3A_354 = arith.select %and3A_352, %add3A_353, %rem3A_344 : i32
      %mul3A_355 = arith.constant 8 : i32
      %mul3A_356 = arith.muli %select_n3A_354, %mul3A_355 : i32
      %mul3A_357 = arith.constant 8 : i32
      %mul3A_358 = arith.muli %select_n3A_323, %mul3A_357 : i32
      %dma_wait3A_359 = arith.constant 0 : i32
      %dma_wait3A_360 = tpu.memref_slice %arg7[%mul3A_356, %dma_wait3A_359] : memref<48x1024xf32, #tpu.memory_space<vmem>> -> memref<8x1024xf32, #tpu.memory_space<vmem>>
      %dma_wait3A_361 = tpu.memref_slice %arg6[%select_n3A_338, %mul3A_358] : memref<4x64xi32, #tpu.memory_space<vmem>> -> memref<1x8xi32, #tpu.memory_space<vmem>>
      %dma_wait3A_362 = tpu.memref_squeeze %dma_wait3A_361 : memref<1x8xi32, #tpu.memory_space<vmem>> -> memref<8xi32, #tpu.memory_space<vmem>>
      %dma_wait3A_363 = arith.constant 0 : i32
      %dma_wait3A_364 = arith.constant 0 : i32
      %dma_wait3A_365 = tpu.memref_slice %arg3[%dma_wait3A_363, %dma_wait3A_364] : memref<100000x1024xf32, #tpu.memory_space<hbm>> -> memref<100000x1024xf32, #tpu.memory_space<hbm>>
      tpu.wait_indirect_dma semaphore(%arg10 : memref<!tpu.dma_semaphore, #tpu.memory_space<semaphore_mem>>) src(%dma_wait3A_365 : memref<100000x1024xf32, #tpu.memory_space<hbm>>) dst(%dma_wait3A_360 : memref<8x1024xf32, #tpu.memory_space<vmem>>)
      %ge3A = arith.constant 6 : i32
      %ge3A_366 = arith.cmpi sge, %add3A_267, %ge3A : i32
      %convert_element_type3A_367 = arith.extui %ge3A_366 : i1 to i32
      %cond3A_368 = arith.constant 0 : i32
      %cond3A_369 = arith.cmpi ne, %convert_element_type3A_367, %cond3A_368 : i32
      scf.if %cond3A_369 {
        %sub3A_460 = arith.constant 6 : i32
        %sub3A_461 = arith.subi %add3A_267, %sub3A_460 : i32
        %jit3A_462 = arith.constant 4 : i32
        %div3A_463 = arith.divsi %sub3A_461, %jit3A_462 : i32
        %sign3A_464 = arith.constant 0 : i32
        %sign3A_465 = arith.cmpi sgt, %sub3A_461, %sign3A_464 : i32
        %sign3A_466 = arith.extui %sign3A_465 : i1 to i32
        %sign3A_467 = arith.constant 0 : i32
        %sign3A_468 = arith.cmpi slt, %sub3A_461, %sign3A_467 : i32
        %sign3A_469 = arith.extui %sign3A_468 : i1 to i32
        %sign3A_470 = arith.subi %sign3A_466, %sign3A_469 : i32
        %sign3A_471 = arith.constant 0 : i32
        %sign3A_472 = arith.cmpi sgt, %jit3A_462, %sign3A_471 : i32
        %sign3A_473 = arith.extui %sign3A_472 : i1 to i32
        %sign3A_474 = arith.constant 0 : i32
        %sign3A_475 = arith.cmpi slt, %jit3A_462, %sign3A_474 : i32
        %sign3A_476 = arith.extui %sign3A_475 : i1 to i32
        %sign3A_477 = arith.subi %sign3A_473, %sign3A_476 : i32
        %ne3A_478 = arith.cmpi ne, %sign3A_470, %sign3A_477 : i32
        %rem3A_479 = arith.remsi %sub3A_461, %jit3A_462 : i32
        %ne3A_480 = arith.constant 0 : i32
        %ne3A_481 = arith.cmpi ne, %rem3A_479, %ne3A_480 : i32
        %and3A_482 = arith.andi %ne3A_478, %ne3A_481 : i1
        %sub3A_483 = arith.constant 1 : i32
        %sub3A_484 = arith.subi %div3A_463, %sub3A_483 : i32
        %select_n3A_485 = arith.select %and3A_482, %sub3A_484, %div3A_463 : i32
        %jit3A_486 = arith.constant 4 : i32
        %eq3A_487 = arith.constant 0 : i32
        %eq3A_488 = arith.cmpi eq, %jit3A_486, %eq3A_487 : i32
        %jit3A_489 = arith.constant 1 : i32
        %select_n3A_490 = arith.select %eq3A_488, %jit3A_489, %jit3A_486 : i32
        %rem3A_491 = arith.remsi %sub3A_461, %select_n3A_490 : i32
        %ne3A_492 = arith.constant 0 : i32
        %ne3A_493 = arith.cmpi ne, %rem3A_491, %ne3A_492 : i32
        %lt3A_494 = arith.constant 0 : i32
        %lt3A_495 = arith.cmpi slt, %rem3A_491, %lt3A_494 : i32
        %lt3A_496 = arith.constant 0 : i32
        %lt3A_497 = arith.cmpi slt, %select_n3A_490, %lt3A_496 : i32
        %ne3A_498 = arith.xori %lt3A_495, %lt3A_497 : i1
        %and3A_499 = arith.andi %ne3A_498, %ne3A_493 : i1
        %add3A_500 = arith.addi %rem3A_491, %select_n3A_490 : i32
        %select_n3A_501 = arith.select %and3A_499, %add3A_500, %rem3A_491 : i32
        %jit3A_502 = arith.constant 6 : i32
        %eq3A_503 = arith.constant 0 : i32
        %eq3A_504 = arith.cmpi eq, %jit3A_502, %eq3A_503 : i32
        %jit3A_505 = arith.constant 1 : i32
        %select_n3A_506 = arith.select %eq3A_504, %jit3A_505, %jit3A_502 : i32
        %rem3A_507 = arith.remsi %sub3A_461, %select_n3A_506 : i32
        %ne3A_508 = arith.constant 0 : i32
        %ne3A_509 = arith.cmpi ne, %rem3A_507, %ne3A_508 : i32
        %lt3A_510 = arith.constant 0 : i32
        %lt3A_511 = arith.cmpi slt, %rem3A_507, %lt3A_510 : i32
        %lt3A_512 = arith.constant 0 : i32
        %lt3A_513 = arith.cmpi slt, %select_n3A_506, %lt3A_512 : i32
        %ne3A_514 = arith.xori %lt3A_511, %lt3A_513 : i1
        %and3A_515 = arith.andi %ne3A_514, %ne3A_509 : i1
        %add3A_516 = arith.addi %rem3A_507, %select_n3A_506 : i32
        %select_n3A_517 = arith.select %and3A_515, %add3A_516, %rem3A_507 : i32
        %mul3A_518 = arith.constant 8 : i32
        %mul3A_519 = arith.muli %select_n3A_517, %mul3A_518 : i32
        %mul3A_520 = arith.constant 8 : i32
        %mul3A_521 = arith.muli %select_n3A_485, %mul3A_520 : i32
        %add3A_522 = arith.addi %mul3A_2, %mul3A_521 : i32
        %dma_wait3A_523 = arith.constant 0 : i32
        %dma_wait3A_524 = tpu.memref_slice %arg9[%mul3A_519, %dma_wait3A_523] : memref<48x1024xf32, #tpu.memory_space<vmem>> -> memref<8x1024xf32, #tpu.memory_space<vmem>>
        %dma_wait3A_525 = arith.constant 0 : i32
        %dma_wait3A_526 = tpu.memref_slice %arg5[%select_n3A_501, %add3A_522, %dma_wait3A_525] : memref<4x2048x1024xf32, #tpu.memory_space<hbm>> -> memref<1x8x1024xf32, #tpu.memory_space<hbm>>
        %dma_wait3A_527 = tpu.memref_squeeze %dma_wait3A_526 : memref<1x8x1024xf32, #tpu.memory_space<hbm>> -> memref<8x1024xf32, #tpu.memory_space<hbm>>
        %dma_wait3A_528 = arith.constant 0 : i32
        %dma_wait3A_529 = tpu.memref_slice %arg5[%select_n3A_501, %add3A_522, %dma_wait3A_528] : memref<4x2048x1024xf32, #tpu.memory_space<hbm>> -> memref<1x8x1024xf32, #tpu.memory_space<hbm>>
        %dma_wait3A_530 = tpu.memref_squeeze %dma_wait3A_529 : memref<1x8x1024xf32, #tpu.memory_space<hbm>> -> memref<8x1024xf32, #tpu.memory_space<hbm>>
        %dma_wait3A_531 = arith.constant 0 : i32
        %dma_wait3A_532 = tpu.memref_slice %arg9[%mul3A_519, %dma_wait3A_531] : memref<48x1024xf32, #tpu.memory_space<vmem>> -> memref<8x1024xf32, #tpu.memory_space<vmem>>
        tpu.wait_dma2 semaphore(%arg12 : memref<!tpu.dma_semaphore, #tpu.memory_space<semaphore_mem>>) src(%dma_wait3A_532 : memref<8x1024xf32, #tpu.memory_space<vmem>>) dst(%dma_wait3A_530 : memref<8x1024xf32, #tpu.memory_space<hbm>>)
      } else {
      }
      %parallel_loop3A = arith.constant 0 : i32
      %parallel_loop3A_370 = arith.constant 8192 : i32
      %parallel_loop3A_371 = arith.constant 16 : i32
      scf.for %parallel_loop3A_460 = %parallel_loop3A to %parallel_loop3A_370 step %parallel_loop3A_371  : i32 {
        %parallel_loop3A_461 = arith.constant 1024 : i32
        %parallel_loop3A_462 = arith.divsi %parallel_loop3A_460, %parallel_loop3A_461 : i32
        %parallel_loop3A_463 = arith.constant 0 : i32
        %parallel_loop3A_464 = arith.cmpi sgt, %parallel_loop3A_460, %parallel_loop3A_463 : i32
        %parallel_loop3A_465 = arith.extui %parallel_loop3A_464 : i1 to i32
        %parallel_loop3A_466 = arith.constant 0 : i32
        %parallel_loop3A_467 = arith.cmpi slt, %parallel_loop3A_460, %parallel_loop3A_466 : i32
        %parallel_loop3A_468 = arith.extui %parallel_loop3A_467 : i1 to i32
        %parallel_loop3A_469 = arith.subi %parallel_loop3A_465, %parallel_loop3A_468 : i32
        %parallel_loop3A_470 = arith.constant 0 : i32
        %parallel_loop3A_471 = arith.cmpi sgt, %parallel_loop3A_461, %parallel_loop3A_470 : i32
        %parallel_loop3A_472 = arith.extui %parallel_loop3A_471 : i1 to i32
        %parallel_loop3A_473 = arith.constant 0 : i32
        %parallel_loop3A_474 = arith.cmpi slt, %parallel_loop3A_461, %parallel_loop3A_473 : i32
        %parallel_loop3A_475 = arith.extui %parallel_loop3A_474 : i1 to i32
        %parallel_loop3A_476 = arith.subi %parallel_loop3A_472, %parallel_loop3A_475 : i32
        %parallel_loop3A_477 = arith.cmpi ne, %parallel_loop3A_469, %parallel_loop3A_476 : i32
        %parallel_loop3A_478 = arith.remsi %parallel_loop3A_460, %parallel_loop3A_461 : i32
        %parallel_loop3A_479 = arith.constant 0 : i32
        %parallel_loop3A_480 = arith.cmpi ne, %parallel_loop3A_478, %parallel_loop3A_479 : i32
        %parallel_loop3A_481 = arith.andi %parallel_loop3A_477, %parallel_loop3A_480 : i1
        %parallel_loop3A_482 = arith.constant 1 : i32
        %parallel_loop3A_483 = arith.subi %parallel_loop3A_462, %parallel_loop3A_482 : i32
        %parallel_loop3A_484 = arith.select %parallel_loop3A_481, %parallel_loop3A_483, %parallel_loop3A_462 : i32
        %parallel_loop3A_485 = arith.constant 1024 : i32
        %parallel_loop3A_486 = arith.constant 0 : i32
        %parallel_loop3A_487 = arith.cmpi eq, %parallel_loop3A_485, %parallel_loop3A_486 : i32
        %parallel_loop3A_488 = arith.constant 1 : i32
        %parallel_loop3A_489 = arith.select %parallel_loop3A_487, %parallel_loop3A_488, %parallel_loop3A_485 : i32
        %parallel_loop3A_490 = arith.remsi %parallel_loop3A_460, %parallel_loop3A_489 : i32
        %parallel_loop3A_491 = arith.constant 0 : i32
        %parallel_loop3A_492 = arith.cmpi ne, %parallel_loop3A_490, %parallel_loop3A_491 : i32
        %parallel_loop3A_493 = arith.constant 0 : i32
        %parallel_loop3A_494 = arith.cmpi slt, %parallel_loop3A_490, %parallel_loop3A_493 : i32
        %parallel_loop3A_495 = arith.constant 0 : i32
        %parallel_loop3A_496 = arith.cmpi slt, %parallel_loop3A_489, %parallel_loop3A_495 : i32
        %parallel_loop3A_497 = arith.xori %parallel_loop3A_494, %parallel_loop3A_496 : i1
        %parallel_loop3A_498 = arith.andi %parallel_loop3A_497, %parallel_loop3A_492 : i1
        %parallel_loop3A_499 = arith.addi %parallel_loop3A_490, %parallel_loop3A_489 : i32
        %parallel_loop3A_500 = arith.select %parallel_loop3A_498, %parallel_loop3A_499, %parallel_loop3A_490 : i32
        %parallel_loop3A_501 = arith.addi %mul3A_289, %parallel_loop3A_484 : i32
        %parallel_loop3A_502 = arith.index_cast %parallel_loop3A_501 : i32 to index
        %parallel_loop3A_503 = arith.index_cast %parallel_loop3A_500 : i32 to index
        %parallel_loop3A_504 = tpu.vector_load %arg7[%parallel_loop3A_502, %parallel_loop3A_503] {strides = array<i32>} : memref<48x1024xf32, #tpu.memory_space<vmem>>, vector<1x16xf32>,
        %parallel_loop3A_505 = vector.shape_cast %parallel_loop3A_504 : vector<1x16xf32> to vector<16xf32>
        %parallel_loop3A_506 = arith.addi %mul3A_297, %parallel_loop3A_484 : i32
        %parallel_loop3A_507 = arith.index_cast %parallel_loop3A_506 : i32 to index
        %parallel_loop3A_508 = arith.index_cast %parallel_loop3A_500 : i32 to index
        %parallel_loop3A_509 = tpu.vector_load %arg8[%parallel_loop3A_507, %parallel_loop3A_508] {strides = array<i32>} : memref<16x1024xf32, #tpu.memory_space<vmem>>, vector<1x16xf32>,
        %parallel_loop3A_510 = vector.shape_cast %parallel_loop3A_509 : vector<1x16xf32> to vector<16xf32>
        %parallel_loop3A_511 = arith.addf %parallel_loop3A_505, %parallel_loop3A_510 : vector<16xf32>
        %parallel_loop3A_512 = arith.addi %mul3A_293, %parallel_loop3A_484 : i32
        %parallel_loop3A_513 = arith.index_cast %parallel_loop3A_512 : i32 to index
        %parallel_loop3A_514 = arith.index_cast %parallel_loop3A_500 : i32 to index
        %parallel_loop3A_515 = tpu.vector_load %arg9[%parallel_loop3A_513, %parallel_loop3A_514] {strides = array<i32>} : memref<48x1024xf32, #tpu.memory_space<vmem>>, vector<1x16xf32>,
        %parallel_loop3A_516 = vector.shape_cast %parallel_loop3A_515 : vector<1x16xf32> to vector<16xf32>
        %parallel_loop3A_517 = vector.shape_cast %parallel_loop3A_511 : vector<16xf32> to vector<1x16xf32>
        tpu.vector_store %arg9[%parallel_loop3A_513, %parallel_loop3A_514], %parallel_loop3A_517 {strides = array<i32>} : memref<48x1024xf32, #tpu.memory_space<vmem>>, vector<1x16xf32>,
      } {sc.loop_unroll_factor = 16 : i64, sc.parallel_access}
      %jit3A_372 = arith.constant 4 : i32
      %div3A_373 = arith.divsi %add3A_267, %jit3A_372 : i32
      %sign3A_374 = arith.constant 0 : i32
      %sign3A_375 = arith.cmpi sgt, %add3A_267, %sign3A_374 : i32
      %sign3A_376 = arith.extui %sign3A_375 : i1 to i32
      %sign3A_377 = arith.constant 0 : i32
      %sign3A_378 = arith.cmpi slt, %add3A_267, %sign3A_377 : i32
      %sign3A_379 = arith.extui %sign3A_378 : i1 to i32
      %sign3A_380 = arith.subi %sign3A_376, %sign3A_379 : i32
      %sign3A_381 = arith.constant 0 : i32
      %sign3A_382 = arith.cmpi sgt, %jit3A_372, %sign3A_381 : i32
      %sign3A_383 = arith.extui %sign3A_382 : i1 to i32
      %sign3A_384 = arith.constant 0 : i32
      %sign3A_385 = arith.cmpi slt, %jit3A_372, %sign3A_384 : i32
      %sign3A_386 = arith.extui %sign3A_385 : i1 to i32
      %sign3A_387 = arith.subi %sign3A_383, %sign3A_386 : i32
      %ne3A_388 = arith.cmpi ne, %sign3A_380, %sign3A_387 : i32
      %rem3A_389 = arith.remsi %add3A_267, %jit3A_372 : i32
      %ne3A_390 = arith.constant 0 : i32
      %ne3A_391 = arith.cmpi ne, %rem3A_389, %ne3A_390 : i32
      %and3A_392 = arith.andi %ne3A_388, %ne3A_391 : i1
      %sub3A_393 = arith.constant 1 : i32
      %sub3A_394 = arith.subi %div3A_373, %sub3A_393 : i32
      %select_n3A_395 = arith.select %and3A_392, %sub3A_394, %div3A_373 : i32
      %jit3A_396 = arith.constant 4 : i32
      %eq3A_397 = arith.constant 0 : i32
      %eq3A_398 = arith.cmpi eq, %jit3A_396, %eq3A_397 : i32
      %jit3A_399 = arith.constant 1 : i32
      %select_n3A_400 = arith.select %eq3A_398, %jit3A_399, %jit3A_396 : i32
      %rem3A_401 = arith.remsi %add3A_267, %select_n3A_400 : i32
      %ne3A_402 = arith.constant 0 : i32
      %ne3A_403 = arith.cmpi ne, %rem3A_401, %ne3A_402 : i32
      %lt3A_404 = arith.constant 0 : i32
      %lt3A_405 = arith.cmpi slt, %rem3A_401, %lt3A_404 : i32
      %lt3A_406 = arith.constant 0 : i32
      %lt3A_407 = arith.cmpi slt, %select_n3A_400, %lt3A_406 : i32
      %ne3A_408 = arith.xori %lt3A_405, %lt3A_407 : i1
      %and3A_409 = arith.andi %ne3A_408, %ne3A_403 : i1
      %add3A_410 = arith.addi %rem3A_401, %select_n3A_400 : i32
      %select_n3A_411 = arith.select %and3A_409, %add3A_410, %rem3A_401 : i32
      %jit3A_412 = arith.constant 6 : i32
      %eq3A_413 = arith.constant 0 : i32
      %eq3A_414 = arith.cmpi eq, %jit3A_412, %eq3A_413 : i32
      %jit3A_415 = arith.constant 1 : i32
      %select_n3A_416 = arith.select %eq3A_414, %jit3A_415, %jit3A_412 : i32
      %rem3A_417 = arith.remsi %add3A_267, %select_n3A_416 : i32
      %ne3A_418 = arith.constant 0 : i32
      %ne3A_419 = arith.cmpi ne, %rem3A_417, %ne3A_418 : i32
      %lt3A_420 = arith.constant 0 : i32
      %lt3A_421 = arith.cmpi slt, %rem3A_417, %lt3A_420 : i32
      %lt3A_422 = arith.constant 0 : i32
      %lt3A_423 = arith.cmpi slt, %select_n3A_416, %lt3A_422 : i32
      %ne3A_424 = arith.xori %lt3A_421, %lt3A_423 : i1
      %and3A_425 = arith.andi %ne3A_424, %ne3A_419 : i1
      %add3A_426 = arith.addi %rem3A_417, %select_n3A_416 : i32
      %select_n3A_427 = arith.select %and3A_425, %add3A_426, %rem3A_417 : i32
      %mul3A_428 = arith.constant 8 : i32
      %mul3A_429 = arith.muli %select_n3A_427, %mul3A_428 : i32
      %mul3A_430 = arith.constant 8 : i32
      %mul3A_431 = arith.muli %select_n3A_395, %mul3A_430 : i32
      %add3A_432 = arith.addi %mul3A_2, %mul3A_431 : i32
      %dma_start3A_433 = arith.constant 0 : i32
      %dma_start3A_434 = tpu.memref_slice %arg9[%mul3A_429, %dma_start3A_433] : memref<48x1024xf32, #tpu.memory_space<vmem>> -> memref<8x1024xf32, #tpu.memory_space<vmem>>
      %dma_start3A_435 = arith.constant 0 : i32
      %dma_start3A_436 = tpu.memref_slice %arg5[%select_n3A_411, %add3A_432, %dma_start3A_435] : memref<4x2048x1024xf32, #tpu.memory_space<hbm>> -> memref<1x8x1024xf32, #tpu.memory_space<hbm>>
      %dma_start3A_437 = tpu.memref_squeeze %dma_start3A_436 : memref<1x8x1024xf32, #tpu.memory_space<hbm>> -> memref<8x1024xf32, #tpu.memory_space<hbm>>
      %dma_start3A_438 = arith.constant 0 : i32
      %dma_start3A_439 = tpu.memref_slice %arg5[%select_n3A_411, %add3A_432, %dma_start3A_438] : memref<4x2048x1024xf32, #tpu.memory_space<hbm>> -> memref<1x8x1024xf32, #tpu.memory_space<hbm>>
      %dma_start3A_440 = tpu.memref_squeeze %dma_start3A_439 : memref<1x8x1024xf32, #tpu.memory_space<hbm>> -> memref<8x1024xf32, #tpu.memory_space<hbm>>
      %dma_start3A_441 = arith.constant 0 : i32
      %dma_start3A_442 = tpu.memref_slice %arg9[%mul3A_429, %dma_start3A_441] : memref<48x1024xf32, #tpu.memory_space<vmem>> -> memref<8x1024xf32, #tpu.memory_space<vmem>>
      tpu.enqueue_dma source(%dma_start3A_442 : memref<8x1024xf32, #tpu.memory_space<vmem>>) target(%dma_start3A_440 : memref<8x1024xf32, #tpu.memory_space<hbm>>) target_semaphore(%arg12 : memref<!tpu.dma_semaphore, #tpu.memory_space<semaphore_mem>>)
      %add3A_443 = arith.constant 6 : i32
      %add3A_444 = arith.addi %add3A_267, %add3A_443 : i32
      %lt3A_445 = arith.constant 32 : i32
      %lt3A_446 = arith.cmpi slt, %add3A_444, %lt3A_445 : i32
      %convert_element_type3A_447 = arith.extui %lt3A_446 : i1 to i32
      %cond3A_448 = arith.constant 0 : i32
      %cond3A_449 = arith.cmpi ne, %convert_element_type3A_447, %cond3A_448 : i32
      scf.if %cond3A_449 {
        %add3A_460 = arith.constant 6 : i32
        %add3A_461 = arith.addi %add3A_267, %add3A_460 : i32
        %jit3A_462 = arith.constant 4 : i32
        %div3A_463 = arith.divsi %add3A_461, %jit3A_462 : i32
        %sign3A_464 = arith.constant 0 : i32
        %sign3A_465 = arith.cmpi sgt, %add3A_461, %sign3A_464 : i32
        %sign3A_466 = arith.extui %sign3A_465 : i1 to i32
        %sign3A_467 = arith.constant 0 : i32
        %sign3A_468 = arith.cmpi slt, %add3A_461, %sign3A_467 : i32
        %sign3A_469 = arith.extui %sign3A_468 : i1 to i32
        %sign3A_470 = arith.subi %sign3A_466, %sign3A_469 : i32
        %sign3A_471 = arith.constant 0 : i32
        %sign3A_472 = arith.cmpi sgt, %jit3A_462, %sign3A_471 : i32
        %sign3A_473 = arith.extui %sign3A_472 : i1 to i32
        %sign3A_474 = arith.constant 0 : i32
        %sign3A_475 = arith.cmpi slt, %jit3A_462, %sign3A_474 : i32
        %sign3A_476 = arith.extui %sign3A_475 : i1 to i32
        %sign3A_477 = arith.subi %sign3A_473, %sign3A_476 : i32
        %ne3A_478 = arith.cmpi ne, %sign3A_470, %sign3A_477 : i32
        %rem3A_479 = arith.remsi %add3A_461, %jit3A_462 : i32
        %ne3A_480 = arith.constant 0 : i32
        %ne3A_481 = arith.cmpi ne, %rem3A_479, %ne3A_480 : i32
        %and3A_482 = arith.andi %ne3A_478, %ne3A_481 : i1
        %sub3A_483 = arith.constant 1 : i32
        %sub3A_484 = arith.subi %div3A_463, %sub3A_483 : i32
        %select_n3A_485 = arith.select %and3A_482, %sub3A_484, %div3A_463 : i32
        %jit3A_486 = arith.constant 4 : i32
        %eq3A_487 = arith.constant 0 : i32
        %eq3A_488 = arith.cmpi eq, %jit3A_486, %eq3A_487 : i32
        %jit3A_489 = arith.constant 1 : i32
        %select_n3A_490 = arith.select %eq3A_488, %jit3A_489, %jit3A_486 : i32
        %rem3A_491 = arith.remsi %add3A_461, %select_n3A_490 : i32
        %ne3A_492 = arith.constant 0 : i32
        %ne3A_493 = arith.cmpi ne, %rem3A_491, %ne3A_492 : i32
        %lt3A_494 = arith.constant 0 : i32
        %lt3A_495 = arith.cmpi slt, %rem3A_491, %lt3A_494 : i32
        %lt3A_496 = arith.constant 0 : i32
        %lt3A_497 = arith.cmpi slt, %select_n3A_490, %lt3A_496 : i32
        %ne3A_498 = arith.xori %lt3A_495, %lt3A_497 : i1
        %and3A_499 = arith.andi %ne3A_498, %ne3A_493 : i1
        %add3A_500 = arith.addi %rem3A_491, %select_n3A_490 : i32
        %select_n3A_501 = arith.select %and3A_499, %add3A_500, %rem3A_491 : i32
        %jit3A_502 = arith.constant 6 : i32
        %eq3A_503 = arith.constant 0 : i32
        %eq3A_504 = arith.cmpi eq, %jit3A_502, %eq3A_503 : i32
        %jit3A_505 = arith.constant 1 : i32
        %select_n3A_506 = arith.select %eq3A_504, %jit3A_505, %jit3A_502 : i32
        %rem3A_507 = arith.remsi %add3A_461, %select_n3A_506 : i32
        %ne3A_508 = arith.constant 0 : i32
        %ne3A_509 = arith.cmpi ne, %rem3A_507, %ne3A_508 : i32
        %lt3A_510 = arith.constant 0 : i32
        %lt3A_511 = arith.cmpi slt, %rem3A_507, %lt3A_510 : i32
        %lt3A_512 = arith.constant 0 : i32
        %lt3A_513 = arith.cmpi slt, %select_n3A_506, %lt3A_512 : i32
        %ne3A_514 = arith.xori %lt3A_511, %lt3A_513 : i1
        %and3A_515 = arith.andi %ne3A_514, %ne3A_509 : i1
        %add3A_516 = arith.addi %rem3A_507, %select_n3A_506 : i32
        %select_n3A_517 = arith.select %and3A_515, %add3A_516, %rem3A_507 : i32
        %mul3A_518 = arith.constant 8 : i32
        %mul3A_519 = arith.muli %select_n3A_517, %mul3A_518 : i32
        %mul3A_520 = arith.constant 8 : i32
        %mul3A_521 = arith.muli %select_n3A_485, %mul3A_520 : i32
        %dma_start3A_522 = arith.constant 0 : i32
        %dma_start3A_523 = tpu.memref_slice %arg7[%mul3A_519, %dma_start3A_522] : memref<48x1024xf32, #tpu.memory_space<vmem>> -> memref<8x1024xf32, #tpu.memory_space<vmem>>
        %dma_start3A_524 = tpu.memref_slice %arg6[%select_n3A_501, %mul3A_521] : memref<4x64xi32, #tpu.memory_space<vmem>> -> memref<1x8xi32, #tpu.memory_space<vmem>>
        %dma_start3A_525 = tpu.memref_squeeze %dma_start3A_524 : memref<1x8xi32, #tpu.memory_space<vmem>> -> memref<8xi32, #tpu.memory_space<vmem>>
        %dma_start3A_526 = arith.constant 0 : i32
        %dma_start3A_527 = arith.constant 0 : i32
        %dma_start3A_528 = tpu.memref_slice %arg3[%dma_start3A_526, %dma_start3A_527] : memref<100000x1024xf32, #tpu.memory_space<hbm>> -> memref<100000x1024xf32, #tpu.memory_space<hbm>>
        tpu.enqueue_indirect_dma source(%dma_start3A_528 : memref<100000x1024xf32, #tpu.memory_space<hbm>>) target(%dma_start3A_523 : memref<8x1024xf32, #tpu.memory_space<vmem>>) offsets(%dma_start3A_525 : memref<8xi32, #tpu.memory_space<vmem>>) semaphore(%arg10 : memref<!tpu.dma_semaphore, #tpu.memory_space<semaphore_mem>>)
      } else {
      }
      %eq3A_450 = arith.constant 1 : i32
      %eq3A_451 = arith.cmpi eq, %rem3A_285, %eq3A_450 : i32
      %add3A_452 = arith.constant 1 : i32
      %add3A_453 = arith.addi %select_n3A, %add3A_452 : i32
      %lt3A_454 = arith.constant 8 : i32
      %lt3A_455 = arith.cmpi slt, %add3A_453, %lt3A_454 : i32
      %and3A_456 = arith.andi %eq3A_451, %lt3A_455 : i1
      %convert_element_type3A_457 = arith.extui %and3A_456 : i1 to i32
      %cond3A_458 = arith.constant 0 : i32
      %cond3A_459 = arith.cmpi ne, %convert_element_type3A_457, %cond3A_458 : i32
      scf.if %cond3A_459 {
        %add3A_460 = arith.constant 1 : i32
        %add3A_461 = arith.addi %select_n3A, %add3A_460 : i32
        %jit3A_462 = arith.constant 2 : i32
        %eq3A_463 = arith.constant 0 : i32
        %eq3A_464 = arith.cmpi eq, %jit3A_462, %eq3A_463 : i32
        %jit3A_465 = arith.constant 1 : i32
        %select_n3A_466 = arith.select %eq3A_464, %jit3A_465, %jit3A_462 : i32
        %rem3A_467 = arith.remsi %add3A_461, %select_n3A_466 : i32
        %ne3A_468 = arith.constant 0 : i32
        %ne3A_469 = arith.cmpi ne, %rem3A_467, %ne3A_468 : i32
        %lt3A_470 = arith.constant 0 : i32
        %lt3A_471 = arith.cmpi slt, %rem3A_467, %lt3A_470 : i32
        %lt3A_472 = arith.constant 0 : i32
        %lt3A_473 = arith.cmpi slt, %select_n3A_466, %lt3A_472 : i32
        %ne3A_474 = arith.xori %lt3A_471, %lt3A_473 : i1
        %and3A_475 = arith.andi %ne3A_474, %ne3A_469 : i1
        %add3A_476 = arith.addi %rem3A_467, %select_n3A_466 : i32
        %select_n3A_477 = arith.select %and3A_475, %add3A_476, %rem3A_467 : i32
        %mul3A_478 = arith.constant 8 : i32
        %mul3A_479 = arith.muli %select_n3A_477, %mul3A_478 : i32
        %mul3A_480 = arith.constant 8 : i32
        %mul3A_481 = arith.muli %add3A_461, %mul3A_480 : i32
        %add3A_482 = arith.addi %mul3A_2, %mul3A_481 : i32
        %dma_start3A_483 = arith.constant 0 : i32
        %dma_start3A_484 = tpu.memref_slice %arg8[%mul3A_479, %dma_start3A_483] : memref<16x1024xf32, #tpu.memory_space<vmem>> -> memref<8x1024xf32, #tpu.memory_space<vmem>>
        %dma_start3A_485 = arith.constant 0 : i32
        %dma_start3A_486 = tpu.memref_slice %arg4[%add3A_482, %dma_start3A_485] : memref<2048x1024xf32, #tpu.memory_space<hbm>> -> memref<8x1024xf32, #tpu.memory_space<hbm>>
        %dma_start3A_487 = arith.constant 0 : i32
        %dma_start3A_488 = tpu.memref_slice %arg8[%mul3A_479, %dma_start3A_487] : memref<16x1024xf32, #tpu.memory_space<vmem>> -> memref<8x1024xf32, #tpu.memory_space<vmem>>
        %dma_start3A_489 = arith.constant 0 : i32
        %dma_start3A_490 = tpu.memref_slice %arg4[%add3A_482, %dma_start3A_489] : memref<2048x1024xf32, #tpu.memory_space<hbm>> -> memref<8x1024xf32, #tpu.memory_space<hbm>>
        tpu.enqueue_dma source(%dma_start3A_490 : memref<8x1024xf32, #tpu.memory_space<hbm>>) target(%dma_start3A_488 : memref<8x1024xf32, #tpu.memory_space<vmem>>) target_semaphore(%arg11 : memref<!tpu.dma_semaphore, #tpu.memory_space<semaphore_mem>>)
      } else {
      }
    }
    %scan3A_172 = arith.constant 32 : i32
    %add3A_173 = arith.constant 48 : i32
    %add3A_174 = arith.addi %mul3A_2, %add3A_173 : i32
    %dma_wait3A_175 = arith.constant 2 : i32
    %dma_wait3A_176 = arith.constant 16 : i32
    %dma_wait3A_177 = arith.constant 0 : i32
    %dma_wait3A_178 = tpu.memref_slice %arg9[%dma_wait3A_176, %dma_wait3A_177] : memref<48x1024xf32, #tpu.memory_space<vmem>> -> memref<8x1024xf32, #tpu.memory_space<vmem>>
    %dma_wait3A_179 = arith.constant 0 : i32
    %dma_wait3A_180 = tpu.memref_slice %arg5[%dma_wait3A_175, %add3A_174, %dma_wait3A_179] : memref<4x2048x1024xf32, #tpu.memory_space<hbm>> -> memref<1x8x1024xf32, #tpu.memory_space<hbm>>
    %dma_wait3A_181 = tpu.memref_squeeze %dma_wait3A_180 : memref<1x8x1024xf32, #tpu.memory_space<hbm>> -> memref<8x1024xf32, #tpu.memory_space<hbm>>
    %dma_wait3A_182 = arith.constant 0 : i32
    %dma_wait3A_183 = tpu.memref_slice %arg5[%dma_wait3A_175, %add3A_174, %dma_wait3A_182] : memref<4x2048x1024xf32, #tpu.memory_space<hbm>> -> memref<1x8x1024xf32, #tpu.memory_space<hbm>>
    %dma_wait3A_184 = tpu.memref_squeeze %dma_wait3A_183 : memref<1x8x1024xf32, #tpu.memory_space<hbm>> -> memref<8x1024xf32, #tpu.memory_space<hbm>>
    %dma_wait3A_185 = arith.constant 16 : i32
    %dma_wait3A_186 = arith.constant 0 : i32
    %dma_wait3A_187 = tpu.memref_slice %arg9[%dma_wait3A_185, %dma_wait3A_186] : memref<48x1024xf32, #tpu.memory_space<vmem>> -> memref<8x1024xf32, #tpu.memory_space<vmem>>
    tpu.wait_dma2 semaphore(%arg12 : memref<!tpu.dma_semaphore, #tpu.memory_space<semaphore_mem>>) src(%dma_wait3A_187 : memref<8x1024xf32, #tpu.memory_space<vmem>>) dst(%dma_wait3A_184 : memref<8x1024xf32, #tpu.memory_space<hbm>>)
    %add3A_188 = arith.constant 48 : i32
    %add3A_189 = arith.addi %mul3A_2, %add3A_188 : i32
    %dma_wait3A_190 = arith.constant 3 : i32
    %dma_wait3A_191 = arith.constant 24 : i32
    %dma_wait3A_192 = arith.constant 0 : i32
    %dma_wait3A_193 = tpu.memref_slice %arg9[%dma_wait3A_191, %dma_wait3A_192] : memref<48x1024xf32, #tpu.memory_space<vmem>> -> memref<8x1024xf32, #tpu.memory_space<vmem>>
    %dma_wait3A_194 = arith.constant 0 : i32
    %dma_wait3A_195 = tpu.memref_slice %arg5[%dma_wait3A_190, %add3A_189, %dma_wait3A_194] : memref<4x2048x1024xf32, #tpu.memory_space<hbm>> -> memref<1x8x1024xf32, #tpu.memory_space<hbm>>
    %dma_wait3A_196 = tpu.memref_squeeze %dma_wait3A_195 : memref<1x8x1024xf32, #tpu.memory_space<hbm>> -> memref<8x1024xf32, #tpu.memory_space<hbm>>
    %dma_wait3A_197 = arith.constant 0 : i32
    %dma_wait3A_198 = tpu.memref_slice %arg5[%dma_wait3A_190, %add3A_189, %dma_wait3A_197] : memref<4x2048x1024xf32, #tpu.memory_space<hbm>> -> memref<1x8x1024xf32, #tpu.memory_space<hbm>>
    %dma_wait3A_199 = tpu.memref_squeeze %dma_wait3A_198 : memref<1x8x1024xf32, #tpu.memory_space<hbm>> -> memref<8x1024xf32, #tpu.memory_space<hbm>>
    %dma_wait3A_200 = arith.constant 24 : i32
    %dma_wait3A_201 = arith.constant 0 : i32
    %dma_wait3A_202 = tpu.memref_slice %arg9[%dma_wait3A_200, %dma_wait3A_201] : memref<48x1024xf32, #tpu.memory_space<vmem>> -> memref<8x1024xf32, #tpu.memory_space<vmem>>
    tpu.wait_dma2 semaphore(%arg12 : memref<!tpu.dma_semaphore, #tpu.memory_space<semaphore_mem>>) src(%dma_wait3A_202 : memref<8x1024xf32, #tpu.memory_space<vmem>>) dst(%dma_wait3A_199 : memref<8x1024xf32, #tpu.memory_space<hbm>>)
    %add3A_203 = arith.constant 56 : i32
    %add3A_204 = arith.addi %mul3A_2, %add3A_203 : i32
    %dma_wait3A_205 = arith.constant 0 : i32
    %dma_wait3A_206 = arith.constant 32 : i32
    %dma_wait3A_207 = arith.constant 0 : i32
    %dma_wait3A_208 = tpu.memref_slice %arg9[%dma_wait3A_206, %dma_wait3A_207] : memref<48x1024xf32, #tpu.memory_space<vmem>> -> memref<8x1024xf32, #tpu.memory_space<vmem>>
    %dma_wait3A_209 = arith.constant 0 : i32
    %dma_wait3A_210 = tpu.memref_slice %arg5[%dma_wait3A_205, %add3A_204, %dma_wait3A_209] : memref<4x2048x1024xf32, #tpu.memory_space<hbm>> -> memref<1x8x1024xf32, #tpu.memory_space<hbm>>
    %dma_wait3A_211 = tpu.memref_squeeze %dma_wait3A_210 : memref<1x8x1024xf32, #tpu.memory_space<hbm>> -> memref<8x1024xf32, #tpu.memory_space<hbm>>
    %dma_wait3A_212 = arith.constant 0 : i32
    %dma_wait3A_213 = tpu.memref_slice %arg5[%dma_wait3A_205, %add3A_204, %dma_wait3A_212] : memref<4x2048x1024xf32, #tpu.memory_space<hbm>> -> memref<1x8x1024xf32, #tpu.memory_space<hbm>>
    %dma_wait3A_214 = tpu.memref_squeeze %dma_wait3A_213 : memref<1x8x1024xf32, #tpu.memory_space<hbm>> -> memref<8x1024xf32, #tpu.memory_space<hbm>>
    %dma_wait3A_215 = arith.constant 32 : i32
    %dma_wait3A_216 = arith.constant 0 : i32
    %dma_wait3A_217 = tpu.memref_slice %arg9[%dma_wait3A_215, %dma_wait3A_216] : memref<48x1024xf32, #tpu.memory_space<vmem>> -> memref<8x1024xf32, #tpu.memory_space<vmem>>
    tpu.wait_dma2 semaphore(%arg12 : memref<!tpu.dma_semaphore, #tpu.memory_space<semaphore_mem>>) src(%dma_wait3A_217 : memref<8x1024xf32, #tpu.memory_space<vmem>>) dst(%dma_wait3A_214 : memref<8x1024xf32, #tpu.memory_space<hbm>>)
    %add3A_218 = arith.constant 56 : i32
    %add3A_219 = arith.addi %mul3A_2, %add3A_218 : i32
    %dma_wait3A_220 = arith.constant 1 : i32
    %dma_wait3A_221 = arith.constant 40 : i32
    %dma_wait3A_222 = arith.constant 0 : i32
    %dma_wait3A_223 = tpu.memref_slice %arg9[%dma_wait3A_221, %dma_wait3A_222] : memref<48x1024xf32, #tpu.memory_space<vmem>> -> memref<8x1024xf32, #tpu.memory_space<vmem>>
    %dma_wait3A_224 = arith.constant 0 : i32
    %dma_wait3A_225 = tpu.memref_slice %arg5[%dma_wait3A_220, %add3A_219, %dma_wait3A_224] : memref<4x2048x1024xf32, #tpu.memory_space<hbm>> -> memref<1x8x1024xf32, #tpu.memory_space<hbm>>
    %dma_wait3A_226 = tpu.memref_squeeze %dma_wait3A_225 : memref<1x8x1024xf32, #tpu.memory_space<hbm>> -> memref<8x1024xf32, #tpu.memory_space<hbm>>
    %dma_wait3A_227 = arith.constant 0 : i32
    %dma_wait3A_228 = tpu.memref_slice %arg5[%dma_wait3A_220, %add3A_219, %dma_wait3A_227] : memref<4x2048x1024xf32, #tpu.memory_space<hbm>> -> memref<1x8x1024xf32, #tpu.memory_space<hbm>>
    %dma_wait3A_229 = tpu.memref_squeeze %dma_wait3A_228 : memref<1x8x1024xf32, #tpu.memory_space<hbm>> -> memref<8x1024xf32, #tpu.memory_space<hbm>>
    %dma_wait3A_230 = arith.constant 40 : i32
    %dma_wait3A_231 = arith.constant 0 : i32
    %dma_wait3A_232 = tpu.memref_slice %arg9[%dma_wait3A_230, %dma_wait3A_231] : memref<48x1024xf32, #tpu.memory_space<vmem>> -> memref<8x1024xf32, #tpu.memory_space<vmem>>
    tpu.wait_dma2 semaphore(%arg12 : memref<!tpu.dma_semaphore, #tpu.memory_space<semaphore_mem>>) src(%dma_wait3A_232 : memref<8x1024xf32, #tpu.memory_space<vmem>>) dst(%dma_wait3A_229 : memref<8x1024xf32, #tpu.memory_space<hbm>>)
    %add3A_233 = arith.constant 56 : i32
    %add3A_234 = arith.addi %mul3A_2, %add3A_233 : i32
    %dma_wait3A_235 = arith.constant 2 : i32
    %dma_wait3A_236 = arith.constant 0 : i32
    %dma_wait3A_237 = arith.constant 0 : i32
    %dma_wait3A_238 = tpu.memref_slice %arg9[%dma_wait3A_236, %dma_wait3A_237] : memref<48x1024xf32, #tpu.memory_space<vmem>> -> memref<8x1024xf32, #tpu.memory_space<vmem>>
    %dma_wait3A_239 = arith.constant 0 : i32
    %dma_wait3A_240 = tpu.memref_slice %arg5[%dma_wait3A_235, %add3A_234, %dma_wait3A_239] : memref<4x2048x1024xf32, #tpu.memory_space<hbm>> -> memref<1x8x1024xf32, #tpu.memory_space<hbm>>
    %dma_wait3A_241 = tpu.memref_squeeze %dma_wait3A_240 : memref<1x8x1024xf32, #tpu.memory_space<hbm>> -> memref<8x1024xf32, #tpu.memory_space<hbm>>
    %dma_wait3A_242 = arith.constant 0 : i32
    %dma_wait3A_243 = tpu.memref_slice %arg5[%dma_wait3A_235, %add3A_234, %dma_wait3A_242] : memref<4x2048x1024xf32, #tpu.memory_space<hbm>> -> memref<1x8x1024xf32, #tpu.memory_space<hbm>>
    %dma_wait3A_244 = tpu.memref_squeeze %dma_wait3A_243 : memref<1x8x1024xf32, #tpu.memory_space<hbm>> -> memref<8x1024xf32, #tpu.memory_space<hbm>>
    %dma_wait3A_245 = arith.constant 0 : i32
    %dma_wait3A_246 = arith.constant 0 : i32
    %dma_wait3A_247 = tpu.memref_slice %arg9[%dma_wait3A_245, %dma_wait3A_246] : memref<48x1024xf32, #tpu.memory_space<vmem>> -> memref<8x1024xf32, #tpu.memory_space<vmem>>
    tpu.wait_dma2 semaphore(%arg12 : memref<!tpu.dma_semaphore, #tpu.memory_space<semaphore_mem>>) src(%dma_wait3A_247 : memref<8x1024xf32, #tpu.memory_space<vmem>>) dst(%dma_wait3A_244 : memref<8x1024xf32, #tpu.memory_space<hbm>>)
    %add3A_248 = arith.constant 56 : i32
    %add3A_249 = arith.addi %mul3A_2, %add3A_248 : i32
    %dma_wait3A_250 = arith.constant 3 : i32
    %dma_wait3A_251 = arith.constant 8 : i32
    %dma_wait3A_252 = arith.constant 0 : i32
    %dma_wait3A_253 = tpu.memref_slice %arg9[%dma_wait3A_251, %dma_wait3A_252] : memref<48x1024xf32, #tpu.memory_space<vmem>> -> memref<8x1024xf32, #tpu.memory_space<vmem>>
    %dma_wait3A_254 = arith.constant 0 : i32
    %dma_wait3A_255 = tpu.memref_slice %arg5[%dma_wait3A_250, %add3A_249, %dma_wait3A_254] : memref<4x2048x1024xf32, #tpu.memory_space<hbm>> -> memref<1x8x1024xf32, #tpu.memory_space<hbm>>
    %dma_wait3A_256 = tpu.memref_squeeze %dma_wait3A_255 : memref<1x8x1024xf32, #tpu.memory_space<hbm>> -> memref<8x1024xf32, #tpu.memory_space<hbm>>
    %dma_wait3A_257 = arith.constant 0 : i32
    %dma_wait3A_258 = tpu.memref_slice %arg5[%dma_wait3A_250, %add3A_249, %dma_wait3A_257] : memref<4x2048x1024xf32, #tpu.memory_space<hbm>> -> memref<1x8x1024xf32, #tpu.memory_space<hbm>>
    %dma_wait3A_259 = tpu.memref_squeeze %dma_wait3A_258 : memref<1x8x1024xf32, #tpu.memory_space<hbm>> -> memref<8x1024xf32, #tpu.memory_space<hbm>>
    %dma_wait3A_260 = arith.constant 8 : i32
    %dma_wait3A_261 = arith.constant 0 : i32
    %dma_wait3A_262 = tpu.memref_slice %arg9[%dma_wait3A_260, %dma_wait3A_261] : memref<48x1024xf32, #tpu.memory_space<vmem>> -> memref<8x1024xf32, #tpu.memory_space<vmem>>
    tpu.wait_dma2 semaphore(%arg12 : memref<!tpu.dma_semaphore, #tpu.memory_space<semaphore_mem>>) src(%dma_wait3A_262 : memref<8x1024xf32, #tpu.memory_space<vmem>>) dst(%dma_wait3A_259 : memref<8x1024xf32, #tpu.memory_space<hbm>>)
    return
  }
}

</mosaic_0001>

<sc_bundles>
// kernel: kernel.3.cloned.1.call-start
scs
__scs_entry_jumppad:
0x0: {  	(pc) =	sbr.rel $0x88, $3  }
0x1: {  	(tag) =	ssettag $0x0;
	lr =	simm.s32 $0x1  }
0x2: {  	[smem:$0x3F9E] =	sst lr;
	_ =	strace $0xD0000000  }
0x3: {  	_ = 	snop  }
0x4: {  	_ = 	snop  }
0x5: {  	_ = 	snop  }
0x6: {  	_ = 	snop  }
0x7: {  	_ = 	snop  }
__scs_overlays_trampoline_lowered:
0x8: {  	[smem:$0x3FAD] =	sst s0  }
0x9: {  	[smem:$0x3FAE] =	sst s1  }
0xa: {  	[smem:$0x3FAF] =	sst s2  }
0xb: {  	[smem:$0x3FB0] =	sst s3  }
0xc: {  	[smem:$0x3FB1] =	sst s4  }
0xd: {  	[smem:$0x3FB2] =	sst s5  }
0xe: {  	[smem:$0x3FB3] =	sst s6  }
0xf: {  	[smem:$0x3FB4] =	sst s7  }
0x10: {  	[smem:$0x3FB5] =	sst s8  }
0x11: {  	[smem:$0x3FB6] =	sst s9;
	s0 =	simm.s32 @!p0 $0x0  }
0x12: {  	s1 =	sld [smem:$0x3F9C];
	s0 =	simm.s32 @p0 $0x1  }
0x13: {  	[smem:$0x3FB7] =	sst s0;
	s0 =	simm.s32 @!p1 $0x0  }
0x14: {  	s2 =	sld [smem:$0x3F9B];
	s0 =	simm.s32 @p1 $0x1  }
0x15: {  	[smem:$0x3FB8] =	sst s0;
	s0 =	simm.s32 @!p2 $0x0  }
0x16: {  	s3 =	sld [smem:$0x3FDB];
	s0 =	simm.s32 @p2 $0x1  }
0x17: {  	s4 =	simm.s32 $0x1BF5;
	[smem:$0x3FBA] =	sst s0  }
0x18: {  	s0 =	sld [smem:$0x3F9D];
	_ =	swait.ge [sflag:s4], $0x0  }
0x19: {  	s7 =	sld [smem:$0x3F9E]  }
0x1a: {  	s8 =	sadd.s32 $0xFFFFE003, lr  }
0x1b: {  	s9 =	sadd.s32 $0xFFFFFEF7, lr;
	s5 =	simm.s32 $0xFFFFFFFF;
	p2 =	slt.u32 s8, $0xFFFFF086  }
0x1c: {  	p1 =	slt.u32 s9, $0xF7A;
	s5 =	simm.s32 @!p2 $0x0  }
0x1d: {  	s5 =	simm.s32 @p1 $0x1;
	p0 =	seq.s32 s7, s2  }
0x1e: {  	s7 =	smul.u32 @!p0 $0xF7A, s2;
	p2 =	seq.s32 @!p0 s5, $0x0  }
0x1f: {  	s9 =	smul.u32 $0xF7A, s1;
	s8 =	simm.s32 @!p0 $0x1BF5;
	p2 =	por !p2, p0  }
0x20: {  	[sflag:s8] =	ssyncset.s32 @!p0 $0xFFFFF086;
	s6 =	sadd.s32 @!p0 s3, s7;
	s7 =	simm.s32 @!p0 $0x108  }
0x21: {  	s3 =	sadd.s32 s3, s9;
	s6 =	sadd.s32 @!p0 $0x88, s6;
	s7 =	simm.s32 @p2 $0x1082  }
0x22: {  	[simem:s7], [sflag:s8] =	dma.local @!p0 [hbm:s6], $0xF7A  }
0x23: {  	s9 =	sor.u32 $0xD0000000, s2;
	s6 =	simm.s32 $0x108;
	_ =	swait.ge @!p0 [sflag:s8], $0x0  }
0x24: {  	s3 =	sadd.s32 $0x88, s3;
	s6 =	simm.s32 @!p1 $0x1082;
	[sflag:s4] =	ssyncset.s32 $0xFFFFF086  }
0x25: {  	[simem:s6], [sflag:s4] =	dma.local [hbm:s3], $0xF7A  }
0x26: {  	[smem:$0x3F9E] =	sst s1;
	(tag) =	ssettag s2;
	_ =	strace s9  }
0x27: {  	s1 =	sld [smem:$0x3FAE]  }
0x28: {  	s2 =	sld [smem:$0x3FAF]  }
0x29: {  	s4 =	sld [smem:$0x3FB1]  }
0x2a: {  	p0 =	seq.s32 s5, $0x0;
	s5 =	sld [smem:$0x3FB2]  }
0x2b: {  	s6 =	sld [smem:$0x3FB3]  }
0x2c: {  	s7 =	sld [smem:$0x3FB4]  }
0x2d: {  	s3 =	simm.s32 $0x108;
	s8 =	sld [smem:$0x3FB5]  }
0x2e: {  	s3 =	simm.s32 @!p0 $0x1082;
	s9 =	sld [smem:$0x3FB6]  }
0x2f: {  	lr =	sadd.s32 s0, s3;
	s0 =	sld [smem:$0x3FAD]  }
0x30: {  	s3 =	sld [smem:$0x3FB0]  }
0x31: {  	[smem:$0x3FB9] =	sst s10  }
0x32: {  	s10 =	sld [smem:$0x3FB7];
	_ =	sdelay $0x3  }
0x33: {  	p0 =	seq.s32 s10, $0x1;
	s10 =	sld [smem:$0x3FB9];
	_ =	sdelay $0x3  }
0x34: {  	[smem:$0x3FB9] =	sst s10  }
0x35: {  	s10 =	sld [smem:$0x3FB8];
	_ =	sdelay $0x3  }
0x36: {  	p1 =	seq.s32 s10, $0x1;
	s10 =	sld [smem:$0x3FB9];
	_ =	sdelay $0x3  }
0x37: {  	[smem:$0x3FB9] =	sst s10  }
0x38: {  	s10 =	sld [smem:$0x3FBA]  }
0x39: {  	_ = 	snop;
	(pc) =	sbr.ind lr, $3  }
0x3a: {  	_ = 	snop  }
0x3b: {  	_ = 	snop  }
0x3c: {  	p2 =	seq.s32 s10, $0x1;
	s10 =	sld [smem:$0x3FB9]  }
0x3d: {  	_ =	shalt  }
0x3e: {  	_ =	shalt  }
0x3f: {  	_ =	shalt  }
0x40: {  	_ =	shalt  }
0x41: {  	_ =	shalt  }
0x42: {  	_ =	shalt  }
0x43: {  	_ =	shalt  }
0x44: {  	_ =	shalt  }
0x45: {  	_ =	shalt  }
0x46: {  	_ =	shalt  }
0x47: {  	_ =	shalt  }
0x48: {  	_ =	shalt  }
0x49: {  	_ =	shalt  }
0x4a: {  	_ =	shalt  }
0x4b: {  	_ =	shalt  }
0x4c: {  	_ =	shalt  }
0x4d: {  	_ =	shalt  }
0x4e: {  	_ =	shalt  }
0x4f: {  	_ =	shalt  }
0x50: {  	_ =	shalt  }
0x51: {  	_ =	shalt  }
0x52: {  	_ =	shalt  }
0x53: {  	_ =	shalt  }
0x54: {  	_ =	shalt  }
0x55: {  	_ =	shalt  }
0x56: {  	_ =	shalt  }
0x57: {  	_ =	shalt  }
0x58: {  	_ =	shalt  }
0x59: {  	_ =	shalt  }
0x5a: {  	_ =	shalt  }
0x5b: {  	_ =	shalt  }
0x5c: {  	_ =	shalt  }
0x5d: {  	_ =	shalt  }
0x5e: {  	_ =	shalt  }
0x5f: {  	_ =	shalt  }
0x60: {  	_ =	shalt  }
0x61: {  	_ =	shalt  }
0x62: {  	_ =	shalt  }
0x63: {  	_ =	shalt  }
0x64: {  	_ =	shalt  }
0x65: {  	_ =	shalt  }
0x66: {  	_ =	shalt  }
0x67: {  	_ =	shalt  }
0x68: {  	_ =	shalt  }
0x69: {  	_ =	shalt  }
0x6a: {  	_ =	shalt  }
0x6b: {  	_ =	shalt  }
0x6c: {  	_ =	shalt  }
0x6d: {  	_ =	shalt  }
0x6e: {  	_ =	shalt  }
0x6f: {  	_ =	shalt  }
0x70: {  	_ =	shalt  }
0x71: {  	_ =	shalt  }
0x72: {  	_ =	shalt  }
0x73: {  	_ =	shalt  }
0x74: {  	_ =	shalt  }
0x75: {  	_ =	shalt  }
0x76: {  	_ =	shalt  }
0x77: {  	_ =	shalt  }
0x78: {  	_ =	shalt  }
0x79: {  	_ =	shalt  }
0x7a: {  	_ =	shalt  }
0x7b: {  	_ =	shalt  }
0x7c: {  	_ =	shalt  }
0x7d: {  	_ =	shalt  }
0x7e: {  	_ =	shalt  }
0x7f: {  	_ =	shalt  }
0x80: {  	_ =	shalt  }
0x81: {  	_ =	shalt  }
0x82: {  	_ =	shalt  }
0x83: {  	_ =	shalt  }
0x84: {  	_ =	shalt  }
0x85: {  	_ =	shalt  }
0x86: {  	_ =	shalt  }
0x87: {  	_ =	shalt  }
.Lfunc_end0:
.L_simem_size_0:
called_computation_lowered:
.L_overlay_start_0:
0x88: {  	s2 =	sld [smem:$0x3FD9]  }
0x89: {  	s3 =	sld [smem:$0x3FFE];
	_ =	sdelay $0x1  }
0x8a: {  	s1 =	srdreg.scid  }
0x8b: {  	s0 =	sand.u32 $0x1, s1  }
0x8c: {  	s18 =	sshll.u32 s0, $0xA;
	s2 =	sadd.s32 s3, s2  }
0x8d: {  	s2 =	sadd.s32 s2, s18  }
0x8e: {  	[smem:$0x3FC5] =	sst s2  }
0x8f: {  	_ = 	snop  }
0x90: {  	s2 =	sld [smem:$0x3FC9]  }
0x91: {  	s19 =	sld [smem:$0x3FC8]  }
0x92: {  	s4 =	sld [smem:$0x3FC7]  }
0x93: {  	s5 =	sld [smem:$0x3FD0];
	(tm) =	ssettm $0x1  }
0x94: {  	s6 =	sld [smem:$0x3FFB];
	_ =	sdelay $0x3  }
0x95: {  	_ =	strace s6  }
0x96: {  	s6 =	sld [smem:$0x3FFC];
	_ =	sdelay $0x3  }
0x97: {  	_ =	strace s6  }
0x98: {  	s6 =	sld [smem:$0x3FFD];
	_ =	sdelay $0x3  }
0x99: {  	_ =	strace s6  }
0x9a: {  	_ =	strace $0x8FFFFFFF  }
0x9b: {  	s20 =	sld [smem:$0x3FDB];
	_ =	sdelay $0x1  }
0x9c: {  	s7 =	simm.s32 $_scs_section_size  }
0x9d: {  	s8 =	simm.s32 $_size__tile_overlayer_lowered;
	s9 =	simm.s32 $_tile_overlayer_lowered  }
0x9e: {  	s23 =	simm.s32 $0x1BFF;
	s22 =	sshll.u32 s9, $0x1;
	s6 =	sadd.s32 s7, s20  }
0x9f: {  	s10 =	simm.s32 $0x0;
	s21 =	sshll.u32 s8, $0x1;
	s8 =	sadd.s32 s22, s6  }
0xa0: {  	[timem:s10], [sflag:s23] =	dma.local [hbm:s8], s21  }
0xa1: {  	_ =	swait.ge [sflag:s23], s21  }
0xa2: {  	s7 =	ssub.s32 $0x0, s21;
	[sflag:s23] =	ssyncset.done $0x0  }
0xa3: {  	[sflag:s23] =	ssyncadd.s32 s7;
	_ =	sdelay $0x1  }
0xa4: {  	s24 =	simm.s32 $0x1B8B  }
0xa5: {  	_ =	swait.ge [sflag:s24], $0x1  }
0xa6: {  	[sflag:s24] =	ssyncset.done $0x0  }
0xa7: {  	s25 =	simm.s32 $0x1B8E;
	[sflag:s24] =	ssyncadd.s32 $0xFFFFFFFF  }
0xa8: {  	s26 =	simm.s32 $execute0_lowered;
	[smem:$0x3FD2] =	sst s25  }
0xa9: {  	s7 =	sshll.u32 s26, $0x1;
	_ =	strace $0x80000046;
	[dreg:$0x1] =	wrdreg $0xFFFFFFFF  }
0xaa: {  	s28 =	simm.s32 $_size_execute0_lowered;
	s6 =	sadd.s32 s6, s7;
	[dreg:$0x0] =	wrdreg $0x0  }
0xab: {  	s7 =	sshll.u32 s28, $0x1;
	[dreg:$0x2] =	wrdreg s6  }
0xac: {  	[dreg:$0x3] =	wrdreg s7  }
0xad: {  	[dreg:$0x4] =	wrdreg $0xC0  }
0xae: {  	_ =	task [dreg:s10], $0x5FFFF  }
0xaf: {  	[dreg:$0x1] =	wrdreg $0xFFFFFFFF  }
0xb0: {  	[dreg:$0x0] =	wrdreg $0x60  }
0xb1: {  	[dreg:$0x2] =	wrdreg s2  }
0xb2: {  	[dreg:$0x3] =	wrdreg s19  }
0xb3: {  	[dreg:$0x4] =	wrdreg s4  }
0xb4: {  	[dreg:$0x5] =	wrdreg s5  }
0xb5: {  	[dreg:$0x6] =	wrdreg $0x9  }
0xb6: {  	_ =	task.clear_ibuf [dreg:s10], $0x7FFFF;
	_ =	strace $0x90000046  }
0xb7: {  	s29 =	simm.s32 $0x9;
	_ =	strace $0x80000048  }
0xb8: {  	_ =	swait.ge [sflag:s29], $0x1  }
0xb9: {  	[sflag:s29] =	ssyncadd.s32 $0xFFFFFFFF  }
0xba: {  	_ =	strace $0x90000048  }
0xbb: {  	_ =	sfence  }
0xbc: {  	s30 =	sld [smem:$0x0];
	_ =	sdelay $0x2  }
0xbd: {  	s31 =	sshll.u32 s1, $0xD;
	s1 =	sshrl.u32 s1, $0x2  }
0xbe: {  	s3 =	sand.u32 $0x4000, s31;
	s1 =	sadd.s32 s1, s30  }
0xbf: {  	s0 =	sor.u32 s3, s0;
	s1 =	sshll.u32 s1, $0x11  }
0xc0: {  	s0 =	sor.u32 s1, s0  }
0xc1: {  	s0 =	sadd.s32 $0x8F2B, s0  }
0xc2: {  	[sflag:s0] =	ssyncadd.remote.s32 $0x1  }
0xc3: {  	_ =	sfence.sel $0xFFFF  }
0xc4: {  	[dreg:$0x0] =	wrdreg $0xFFFFFFFF;
	(pc) =	sbr.abs _section_cstart, $3  }
0xc5: {  	[dreg:$0x1] =	wrdreg $0xFFFFFFFF  }
0xc6: {  	_ =	task.clear_ibuf [dreg:s10], $0x2FFFF;
	_ =	strace $0x9FFFFFFF  }
0xc7: {  	(tm) =	ssettm $0x7FFFFFFF  }
tec
execute0_lowered:
.L_overlay_start_1:
0x0: {  	(tag) =	ssettag $0x1  }
0x1: {  	s0 =	rddreg [dreg:$0x0]  }
0x2: {  	s1 =	rddreg [dreg:$0x1];
	s2 =	srdreg.scid  }
0x3: {  	s3 =	rddreg [dreg:$0x2];
	s5 =	stileid.u32  }
0x4: {  	s4 =	rddreg [dreg:$0x3];
	s19 =	simm.s32 $0x3;
	s30 =	simm.s32 $0x1  }
0x5: {  	s31 =	simm.s32 $0x0;
	s2 =	sand.u32 $0x1, s2;
	s6 =	sshll.u32 s5, $0x7  }
0x6: {  	s5 =	simm.s32 $0x0;
	s10 =	sadd.s32 $0x100, s1;
	s11 =	sadd.s32 $0x200, s1  }
0x7: {  	s12 =	sadd.s32 $0x300, s1;
	s7 =	sshll.u32 s2, $0x6;
	s2 =	ssub.s32 $0x2, s2  }
0x8: {  	[smem:$0x7FF] =	sst s5;
	s14 =	sor.u32 s7, s6;
	s26 =	sshrl.u32 s2, $0x1  }
0x9: {  	_ =	strace $0x80000047;
	s6 =	sshll.u32 s14, $0x2;
	s2 =	ssub.s32 s2, s26  }
0xa: {  	s29 =	sshll.u32 s14, $0x7;
	s14 =	sshrl.u32 s14, $0x3;
	s8 =	sand.u32 $0x1E00, s6  }
0xb: {  	s6 =	sor.u32 s7, s6;
	s13 =	sadd.s32 s3, s29;
	s8 =	sor.u32 s7, s8  }
0xc: {  	v0 =	vlaneseq.u32;
	s15 =	smax.u32 s2, $0x1;
	s9 =	sshrl.u32 s6, $0x3;
	s8 =	sshrl.u32 s8, $0x3  }
0xd: {  	v1 =	vshrl.u32 v0, $0x3;
	s28 =	sor.u32 $0x20, s9;
	s9 =	sor.u32 $0x30, s9;
	s6 =	sadd.s32 s0, s8  }
0xe: {  	vm0 =	vmmov $0xffff;
	v0 =	vand.u32 $0x7, v0;
	v1 =	vmul.u32 $0x8, v1;
	s8 =	sadd.s32 s0, s28;
	s9 =	sadd.s32 s0, s9;
	s7 =	sadd.s32 $0x10, s6  }
.LBB2_1:
0xf: {  	[tilespmem:s5], [sflag:$0x3] =	stream.linear.gather [hbm4b:s6+s5], $0x40, $0x38;
	[tilespmem:$0x1C200] =	vst v63  }
0x10: {  	s0 =	simm.s32 $0x80  }
0x11: {  	[tilespmem:s0], [sflag:$0x3] =	stream.linear.gather [hbm4b:s7+s5], $0x40, $0x38;
	[tilespmem:$0x1C200] =	vst v63  }
0x12: {  	s29 =	simm.s32 $0x100  }
0x13: {  	[tilespmem:s29], [sflag:$0x3] =	stream.linear.gather [hbm4b:s8+s5], $0x40, $0x38;
	[tilespmem:$0x1C200] =	vst v63  }
0x14: {  	s2 =	simm.s32 $0x180  }
0x15: {  	[tilespmem:s2], [sflag:$0x3] =	stream.linear.gather [hbm4b:s9+s5], $0x40, $0x38;
	[tilespmem:$0x1C200] =	vst v63  }
0x16: {  	_ =	swait.ge [sflag:s19], $0x40  }
0x17: {  	[sflag:s19] =	ssyncset.done $0x0  }
0x18: {  	[sflag:s19] =	ssyncadd.s32 $0xFFFFFFC0  }
0x19: {  	_ =	swait.ge [sflag:s19], $0x40  }
0x1a: {  	[sflag:s19] =	ssyncset.done $0x0  }
0x1b: {  	[sflag:s19] =	ssyncadd.s32 $0xFFFFFFC0  }
0x1c: {  	_ =	swait.ge [sflag:s19], $0x40  }
0x1d: {  	[sflag:s19] =	ssyncset.done $0x0  }
0x1e: {  	[sflag:s19] =	ssyncadd.s32 $0xFFFFFFC0  }
0x1f: {  	_ =	swait.ge [sflag:s19], $0x40  }
0x20: {  	[sflag:s19] =	ssyncset.done $0x0  }
0x21: {  	[sflag:s19] =	ssyncadd.s32 $0xFFFFFFC0  }
0x22: {  	v2 =	vld.msk [tilespmem:$0x0], $0xff;
	_ =	sdelay $0x4  }
0x23: {  	v3 =	vshll.u32 v2, $0x3  }
0x24: {  	v2 =	vand.u32 $0x7, v2;
	v3 =	vand.u32 $0xFFFFFFC0, v3  }
0x25: {  	v2 =	vor.u32 v2, v3  }
0x26: {  	v2 =	vperm.xlane v2, v0;
	_ =	sdelay $0x1  }
0x27: {  	v2 =	vadd.s32 v1, v2;
	_ =	sdelay $0x3  }
0x28: {  	s16 =	simm.s32 $0x200  }
0x29: {  	[tilespmem:s16], [sflag:$0x1] =	stream.indirect_vreg.gather [hbm4b:s1+s5], $0x80, v2, vm0, $0xb8;
	[tilespmem:$0x1C200] =	vst v63  }
0x2a: {  	s17 =	simm.s32 $0xA00  }
0x2b: {  	[tilespmem:s17], [sflag:$0x1] =	stream.indirect_vreg.gather [hbm4b:s10+s5], $0x80, v2, vm0, $0xb8;
	[tilespmem:$0x1C200] =	vst v63  }
0x2c: {  	s18 =	simm.s32 $0x1200  }
0x2d: {  	[tilespmem:s18], [sflag:$0x1] =	stream.indirect_vreg.gather [hbm4b:s11+s5], $0x80, v2, vm0, $0xb8;
	[tilespmem:$0x1C200] =	vst v63  }
0x2e: {  	s20 =	simm.s32 $0x1A00  }
0x2f: {  	[tilespmem:s20], [sflag:$0x1] =	stream.indirect_vreg.gather [hbm4b:s12+s5], $0x80, v2, vm0, $0xb8;
	[tilespmem:$0x1C200] =	vst v63  }
0x30: {  	v2 =	vld.msk [tilespmem:$0x80], $0xff;
	_ =	sdelay $0x4  }
0x31: {  	v3 =	vshll.u32 v2, $0x3  }
0x32: {  	v2 =	vand.u32 $0x7, v2;
	v3 =	vand.u32 $0xFFFFFFC0, v3  }
0x33: {  	v2 =	vor.u32 v2, v3  }
0x34: {  	v2 =	vperm.xlane v2, v0;
	_ =	sdelay $0x1  }
0x35: {  	v2 =	vadd.s32 v1, v2;
	_ =	sdelay $0x3  }
0x36: {  	s21 =	simm.s32 $0x2200  }
0x37: {  	[tilespmem:s21], [sflag:$0x1] =	stream.indirect_vreg.gather [hbm4b:s1+s5], $0x80, v2, vm0, $0xb8;
	[tilespmem:$0x1C200] =	vst v63  }
0x38: {  	s22 =	simm.s32 $0x2A00  }
0x39: {  	[tilespmem:s22], [sflag:$0x1] =	stream.indirect_vreg.gather [hbm4b:s10+s5], $0x80, v2, vm0, $0xb8;
	[tilespmem:$0x1C200] =	vst v63  }
0x3a: {  	s23 =	simm.s32 $0x3200  }
0x3b: {  	[tilespmem:s23], [sflag:$0x1] =	stream.indirect_vreg.gather [hbm4b:s11+s5], $0x80, v2, vm0, $0xb8;
	[tilespmem:$0x1C200] =	vst v63  }
0x3c: {  	s24 =	simm.s32 $0x3A00  }
0x3d: {  	[tilespmem:s24], [sflag:$0x1] =	stream.indirect_vreg.gather [hbm4b:s12+s5], $0x80, v2, vm0, $0xb8;
	[tilespmem:$0x1C200] =	vst v63  }
0x3e: {  	v2 =	vld.msk [tilespmem:$0x100], $0xff;
	_ =	sdelay $0x4  }
0x3f: {  	v3 =	vshll.u32 v2, $0x3  }
0x40: {  	v2 =	vand.u32 $0x7, v2;
	v3 =	vand.u32 $0xFFFFFFC0, v3  }
0x41: {  	v2 =	vor.u32 v2, v3  }
0x42: {  	v2 =	vperm.xlane v2, v0;
	_ =	sdelay $0x1  }
0x43: {  	v2 =	vadd.s32 v1, v2;
	_ =	sdelay $0x3  }
0x44: {  	s25 =	simm.s32 $0x4200  }
0x45: {  	[tilespmem:s25], [sflag:$0x1] =	stream.indirect_vreg.gather [hbm4b:s1+s5], $0x80, v2, vm0, $0xb8;
	[tilespmem:$0x1C200] =	vst v63  }
0x46: {  	s26 =	simm.s32 $0x4A00  }
0x47: {  	[tilespmem:s26], [sflag:$0x1] =	stream.indirect_vreg.gather [hbm4b:s10+s5], $0x80, v2, vm0, $0xb8;
	[tilespmem:$0x1C200] =	vst v63  }
0x48: {  	s28 =	simm.s32 $0x5200  }
0x49: {  	[tilespmem:s28], [sflag:$0x1] =	stream.indirect_vreg.gather [hbm4b:s11+s5], $0x80, v2, vm0, $0xb8;
	[tilespmem:$0x1C200] =	vst v63  }
0x4a: {  	s29 =	simm.s32 $0x5A00  }
0x4b: {  	[tilespmem:s29], [sflag:$0x1] =	stream.indirect_vreg.gather [hbm4b:s12+s5], $0x80, v2, vm0, $0xb8;
	[tilespmem:$0x1C200] =	vst v63  }
0x4c: {  	v2 =	vld.msk [tilespmem:$0x180], $0xff;
	_ =	sdelay $0x4  }
0x4d: {  	v3 =	vshll.u32 v2, $0x3  }
0x4e: {  	v2 =	vand.u32 $0x7, v2;
	v3 =	vand.u32 $0xFFFFFFC0, v3  }
0x4f: {  	v2 =	vor.u32 v2, v3  }
0x50: {  	v2 =	vperm.xlane v2, v0;
	_ =	sdelay $0x1  }
0x51: {  	v2 =	vadd.s32 v1, v2;
	_ =	sdelay $0x3  }
0x52: {  	s2 =	simm.s32 $0x6200  }
0x53: {  	[tilespmem:s2], [sflag:$0x1] =	stream.indirect_vreg.gather [hbm4b:s1+s5], $0x80, v2, vm0, $0xb8;
	[tilespmem:$0x1C200] =	vst v63  }
0x54: {  	s16 =	simm.s32 $0x6A00  }
0x55: {  	[tilespmem:s16], [sflag:$0x1] =	stream.indirect_vreg.gather [hbm4b:s10+s5], $0x80, v2, vm0, $0xb8;
	[tilespmem:$0x1C200] =	vst v63  }
0x56: {  	s17 =	simm.s32 $0x7200  }
0x57: {  	[tilespmem:s17], [sflag:$0x1] =	stream.indirect_vreg.gather [hbm4b:s11+s5], $0x80, v2, vm0, $0xb8;
	[tilespmem:$0x1C200] =	vst v63  }
0x58: {  	s18 =	simm.s32 $0x7A00  }
0x59: {  	[tilespmem:s18], [sflag:$0x1] =	stream.indirect_vreg.gather [hbm4b:s12+s5], $0x80, v2, vm0, $0xb8;
	[tilespmem:$0x1C200] =	vst v63  }
0x5a: {  	v2 =	vld.msk [tilespmem:$0x8], $0xff;
	_ =	sdelay $0x4  }
0x5b: {  	v3 =	vshll.u32 v2, $0x3  }
0x5c: {  	v2 =	vand.u32 $0x7, v2;
	v3 =	vand.u32 $0xFFFFFFC0, v3  }
0x5d: {  	v2 =	vor.u32 v2, v3  }
0x5e: {  	v2 =	vperm.xlane v2, v0;
	_ =	sdelay $0x1  }
0x5f: {  	v2 =	vadd.s32 v1, v2;
	_ =	sdelay $0x3  }
0x60: {  	s20 =	simm.s32 $0x8200  }
0x61: {  	[tilespmem:s20], [sflag:$0x1] =	stream.indirect_vreg.gather [hbm4b:s1+s5], $0x80, v2, vm0, $0xb8;
	[tilespmem:$0x1C200] =	vst v63  }
0x62: {  	s21 =	simm.s32 $0x8A00  }
0x63: {  	[tilespmem:s21], [sflag:$0x1] =	stream.indirect_vreg.gather [hbm4b:s10+s5], $0x80, v2, vm0, $0xb8;
	[tilespmem:$0x1C200] =	vst v63  }
0x64: {  	s22 =	simm.s32 $0x9200  }
0x65: {  	[tilespmem:s22], [sflag:$0x1] =	stream.indirect_vreg.gather [hbm4b:s11+s5], $0x80, v2, vm0, $0xb8;
	[tilespmem:$0x1C200] =	vst v63  }
0x66: {  	s23 =	simm.s32 $0x9A00  }
0x67: {  	[tilespmem:s23], [sflag:$0x1] =	stream.indirect_vreg.gather [hbm4b:s12+s5], $0x80, v2, vm0, $0xb8;
	[tilespmem:$0x1C200] =	vst v63  }
0x68: {  	v2 =	vld.msk [tilespmem:$0x88], $0xff;
	_ =	sdelay $0x4  }
0x69: {  	v3 =	vshll.u32 v2, $0x3  }
0x6a: {  	v2 =	vand.u32 $0x7, v2;
	v3 =	vand.u32 $0xFFFFFFC0, v3  }
0x6b: {  	v2 =	vor.u32 v2, v3  }
0x6c: {  	v2 =	vperm.xlane v2, v0;
	_ =	sdelay $0x1  }
0x6d: {  	v2 =	vadd.s32 v1, v2;
	_ =	sdelay $0x3  }
0x6e: {  	s24 =	simm.s32 $0xA200  }
0x6f: {  	[tilespmem:s24], [sflag:$0x1] =	stream.indirect_vreg.gather [hbm4b:s1+s5], $0x80, v2, vm0, $0xb8;
	[tilespmem:$0x1C200] =	vst v63  }
0x70: {  	s25 =	simm.s32 $0xAA00  }
0x71: {  	[tilespmem:s25], [sflag:$0x1] =	stream.indirect_vreg.gather [hbm4b:s10+s5], $0x80, v2, vm0, $0xb8;
	[tilespmem:$0x1C200] =	vst v63  }
0x72: {  	s26 =	simm.s32 $0xB200  }
0x73: {  	[tilespmem:s26], [sflag:$0x1] =	stream.indirect_vreg.gather [hbm4b:s11+s5], $0x80, v2, vm0, $0xb8;
	[tilespmem:$0x1C200] =	vst v63  }
0x74: {  	s28 =	simm.s32 $0xBA00  }
0x75: {  	[tilespmem:s28], [sflag:$0x1] =	stream.indirect_vreg.gather [hbm4b:s12+s5], $0x80, v2, vm0, $0xb8;
	[tilespmem:$0x1C200] =	vst v63  }
0x76: {  	s29 =	simm.s32 $0xC200;
	s2 =	simm.s32 $0x0  }
0x77: {  	[tilespmem:s29], [sflag:$0x2] =	stream.linear.gather [hbm4b:s13+s5], $0x2000, $0x38;
	[tilespmem:$0x1C200] =	vst v63  }
.LBB2_2:
0x78: {  	s0 =	sand.u32 $0x3, s2  }
0x79: {  	s17 =	smul.u32 $0xAB, s2;
	p0 =	sne.s32 s0, $0x0  }
0x7a: {  	s18 =	sshll.u32 s2, $0xD;
	s20 =	simm.s32 $0x0;
	s16 =	simm.s32 @!p0 $0x2  }
0x7b: {  	s21 =	simm.s32 $0x0;
	s17 =	sshrl.u32 s17, $0xA;
	_ =	swait.ge @!p0 [sflag:s16], $0x2000  }
0x7c: {  	s18 =	sand.u32 $0x8000, s18;
	s28 =	sand.u32 $0x3F, s17;
	[sflag:s16] =	ssyncset.done @!p0 $0x0  }
0x7d: {  	s23 =	sand.u32 $0x1800, s20;
	[sflag:s16] =	ssyncadd.s32 @!p0 $0xFFFFE000;
	s16 =	smul.u32 $0x6, s28  }
0x7e: {  	s22 =	sand.u32 $0x1FFFFF80, s21;
	s18 =	sshrl.u32 s18, $0x2;
	_ =	swait.ge [sflag:s30], $0x2000  }
0x7f: {  	p0 =	slt.u32 s2, $0x6;
	[sflag:s30] =	ssyncset.done $0x0;
	s16 =	ssub.s32 s2, s16  }
0x80: {  	s17 =	simm.s32 @!p0 $0x3;
	[sflag:s30] =	ssyncadd.s32 $0xFFFFE000;
	s16 =	sand.u32 $0xFF, s16  }
0x81: {  	s24 =	sor.u32 $0x400, s23;
	_ =	swait.ge @!p0 [sflag:s17], $0x2000;
	s16 =	sshll.u32 s16, $0xD  }
0x82: {  	s21 =	sadd.s32 $0xC200, s18;
	[sflag:s17] =	ssyncset.done @!p0 $0x0;
	s29 =	sadd.s32 s16, s22  }
0x83: {  	s25 =	sadd.s32 s22, s21;
	[sflag:s17] =	ssyncadd.s32 @!p0 $0xFFFFE000;
	s17 =	sor.u32 s24, s29  }
0x84: {  	s22 =	sadd.s32 s24, s25;
	v2 =	vld [tilespmem:s17+$0x270]  }
0x85: {  	s18 =	sor.u32 s23, s29;
	v3 =	vld [tilespmem:s22+$0x70]  }
0x86: {  	s23 =	sadd.s32 s23, s25;
	v4 =	vld [tilespmem:s18+$0x200]  }
0x87: {  	v5 =	vld [tilespmem:s23+$0x0]  }
0x88: {  	v6 =	vld [tilespmem:s18+$0x210]  }
0x89: {  	v7 =	vld [tilespmem:s23+$0x10]  }
0x8a: {  	v8 =	vld [tilespmem:s18+$0x220]  }
0x8b: {  	v9 =	vld [tilespmem:s23+$0x20]  }
0x8c: {  	v10 =	vld [tilespmem:s18+$0x230]  }
0x8d: {  	v11 =	vld [tilespmem:s23+$0x30]  }
0x8e: {  	v12 =	vld [tilespmem:s18+$0x240]  }
0x8f: {  	v13 =	vld [tilespmem:s23+$0x40]  }
0x90: {  	v14 =	vld [tilespmem:s18+$0x250]  }
0x91: {  	v15 =	vld [tilespmem:s23+$0x50]  }
0x92: {  	v16 =	vld [tilespmem:s18+$0x260]  }
0x93: {  	v2 =	vadd.f32 v3, v2;
	v3 =	vld [tilespmem:s23+$0x60]  }
0x94: {  	v4 =	vadd.f32 v5, v4;
	v5 =	vld [tilespmem:s18+$0x270]  }
0x95: {  	[tilespmem:s17+$0x10270] =	vst v2;
	v2 =	vadd.f32 v7, v6;
	v6 =	vld [tilespmem:s23+$0x70]  }
0x96: {  	v7 =	vld [tilespmem:s17+$0x200]  }
0x97: {  	[tilespmem:s18+$0x10200] =	vst v4;
	v4 =	vadd.f32 v9, v8;
	v8 =	vld [tilespmem:s22+$0x0]  }
0x98: {  	[tilespmem:s18+$0x10210] =	vst v2;
	v2 =	vadd.f32 v11, v10  }
0x99: {  	v62 =	vld [tilespmem:s17+$0x210];
	[tilespmem:s18+$0x10220] =	vst v4;
	v4 =	vadd.f32 v13, v12  }
0x9a: {  	v63 =	vld [tilespmem:s22+$0x10];
	[tilespmem:s18+$0x10230] =	vst v2;
	v2 =	vadd.f32 v15, v14  }
0x9b: {  	v3 =	vadd.f32 v3, v16;
	[tilespmem:s18+$0x10240] =	vst v4;
	v4 =	vld [tilespmem:s17+$0x220]  }
0x9c: {  	v7 =	vadd.f32 v8, v7;
	[tilespmem:s18+$0x10250] =	vst v2;
	v2 =	vadd.f32 v6, v5;
	v6 =	vld [tilespmem:s22+$0x20]  }
0x9d: {  	[tilespmem:s18+$0x10260] =	vst v3;
	v3 =	vld [tilespmem:s17+$0x230]  }
0x9e: {  	v5 =	vld [tilespmem:s22+$0x30];
	[tilespmem:s17+$0x10200] =	vst v7  }
0x9f: {  	s23 =	simm.s32 $0x0;
	v7 =	vadd.f32 v63, v62;
	[tilespmem:s18+$0x10270] =	vst v2;
	s18 =	sshrl.u32 s2, $0x2;
	v2 =	vld [tilespmem:s17+$0x240]  }
.LBB2_3:
0xa0: {  	s23 =	sadd.s32 $0x100, s23;
	v8 =	vld [tilespmem:s22+$0x40]  }
0xa1: {  	s20 =	sadd.s32 $0x800, s20;
	s24 =	sshrl.u32 s23, $0x3;
	p0 =	slt.u32 s23, $0x1F00;
	[tilespmem:s17+$0x10210] =	vst v7;
	v4 =	vadd.f32 v6, v4;
	v6 =	vld [tilespmem:s17+$0x250]  }
0xa2: {  	s25 =	sand.u32 $0x1800, s20;
	s26 =	sand.u32 $0x1FFFFF80, s24;
	v7 =	vld [tilespmem:s22+$0x50]  }
0xa3: {  	s29 =	sor.u32 $0x400, s25;
	s28 =	sadd.s32 s16, s26;
	[tilespmem:s17+$0x10220] =	vst v4;
	v3 =	vadd.f32 v5, v3;
	v4 =	vld [tilespmem:s17+$0x260]  }
0xa4: {  	s26 =	sadd.s32 s26, s21;
	s24 =	sor.u32 s25, s28;
	s28 =	sor.u32 s29, s28;
	v5 =	vld [tilespmem:s22+$0x60]  }
0xa5: {  	s25 =	sadd.s32 s25, s26;
	s22 =	sadd.s32 s29, s26;
	v9 =	vld [tilespmem:s28+$0x270];
	[tilespmem:s17+$0x10230] =	vst v3;
	v2 =	vadd.f32 v8, v2  }
0xa6: {  	v3 =	vld [tilespmem:s22+$0x70]  }
0xa7: {  	v8 =	vld [tilespmem:s24+$0x200];
	[tilespmem:s17+$0x10240] =	vst v2;
	v2 =	vadd.f32 v7, v6  }
0xa8: {  	v6 =	vld [tilespmem:s25+$0x0]  }
0xa9: {  	v7 =	vld [tilespmem:s24+$0x210];
	[tilespmem:s17+$0x10250] =	vst v2;
	v2 =	vadd.f32 v5, v4  }
0xaa: {  	v4 =	vld [tilespmem:s25+$0x10]  }
0xab: {  	v5 =	vld [tilespmem:s24+$0x220];
	v3 =	vadd.f32 v3, v9;
	[tilespmem:s17+$0x10260] =	vst v2;
	s17 =	smov.u32 s28  }
0xac: {  	v2 =	vld [tilespmem:s25+$0x20]  }
0xad: {  	v6 =	vadd.f32 v6, v8;
	v8 =	vld [tilespmem:s24+$0x230];
	[tilespmem:s17+$0x10270] =	vst v3  }
0xae: {  	v3 =	vld [tilespmem:s25+$0x30]  }
0xaf: {  	[tilespmem:s24+$0x10200] =	vst v6;
	v4 =	vadd.f32 v4, v7;
	v6 =	vld [tilespmem:s24+$0x240]  }
0xb0: {  	v7 =	vld [tilespmem:s25+$0x40]  }
0xb1: {  	[tilespmem:s24+$0x10210] =	vst v4;
	v2 =	vadd.f32 v2, v5;
	v4 =	vld [tilespmem:s24+$0x250]  }
0xb2: {  	v5 =	vld [tilespmem:s25+$0x50]  }
0xb3: {  	[tilespmem:s24+$0x10220] =	vst v2;
	v2 =	vadd.f32 v3, v8;
	v3 =	vld [tilespmem:s24+$0x260]  }
0xb4: {  	v8 =	vld [tilespmem:s25+$0x60]  }
0xb5: {  	[tilespmem:s24+$0x10230] =	vst v2;
	v2 =	vadd.f32 v7, v6;
	v6 =	vld [tilespmem:s24+$0x270]  }
0xb6: {  	v7 =	vld [tilespmem:s25+$0x70]  }
0xb7: {  	[tilespmem:s24+$0x10240] =	vst v2;
	v2 =	vadd.f32 v5, v4;
	v5 =	vld [tilespmem:s17+$0x200]  }
0xb8: {  	v9 =	vld [tilespmem:s22+$0x0]  }
0xb9: {  	[tilespmem:s24+$0x10250] =	vst v2;
	v2 =	vadd.f32 v8, v3;
	v8 =	vld [tilespmem:s17+$0x210]  }
0xba: {  	v10 =	vld [tilespmem:s22+$0x10]  }
.Ltmp0:
0xbb: {  	[tilespmem:s24+$0x10260] =	vst v2;
	v2 =	vadd.f32 v7, v6;
	v4 =	vld [tilespmem:s17+$0x220];
	(pc) =	sbr.rel @p0 .LBB2_3-.Ltmp0, $4  }
0xbc: {  	v6 =	vld [tilespmem:s22+$0x20]  }
0xbd: {  	[tilespmem:s24+$0x10270] =	vst v2;
	v2 =	vadd.f32 v9, v5;
	v3 =	vld [tilespmem:s17+$0x230]  }
0xbe: {  	v5 =	vld [tilespmem:s22+$0x30]  }
0xbf: {  	[tilespmem:s17+$0x10200] =	vst v2;
	v7 =	vadd.f32 v10, v8;
	v2 =	vld [tilespmem:s17+$0x240]  }
0xc0: {  	v8 =	vld [tilespmem:s22+$0x40]  }
0xc1: {  	v9 =	vld [tilespmem:s17+$0x250]  }
0xc2: {  	v10 =	vld [tilespmem:s22+$0x50]  }
0xc3: {  	v11 =	vld [tilespmem:s17+$0x260]  }
0xc4: {  	v12 =	vld [tilespmem:s22+$0x60]  }
0xc5: {  	v4 =	vadd.f32 v6, v4  }
0xc6: {  	[tilespmem:s17+$0x10210] =	vst v7;
	v3 =	vadd.f32 v5, v3  }
0xc7: {  	[tilespmem:s17+$0x10220] =	vst v4;
	v2 =	vadd.f32 v8, v2  }
0xc8: {  	s20 =	sshll.u32 s2, $0x12;
	[tilespmem:s17+$0x10230] =	vst v3;
	v3 =	vadd.f32 v10, v9  }
0xc9: {  	s21 =	sadd.s32 s14, s18;
	s20 =	sand.u32 $0xC0000, s20;
	[tilespmem:s17+$0x10240] =	vst v2;
	v2 =	vadd.f32 v12, v11  }
0xca: {  	s21 =	sshll.u32 s21, $0xA;
	s20 =	sadd.s32 s4, s20;
	[tilespmem:s17+$0x10250] =	vst v3  }
0xcb: {  	s16 =	sadd.s32 $0x10200, s16;
	p0 =	sgt.u32 s2, $0x19;
	s29 =	sadd.s32 s21, s20;
	[tilespmem:s17+$0x10260] =	vst v2  }
0xcc: {  	[hbm4b:s29+s5] =	stream.linear.scatter [tilespmem:s16], [sflag:$0x3], $0x2000, $0x38;
	[tilespmem:$0x1C200] =	vst v63  }
0xcd: {  	s16 =	sadd.s32 @!p0 $0x6, s2  }
0xce: {  	s17 =	sshll.u32 @!p0 s16, $0x1;
	s20 =	sshll.u32 @!p0 s16, $0x7  }
0xcf: {  	s17 =	sand.u32 @!p0 $0x78, s17;
	s20 =	sand.u32 @!p0 $0x180, s20  }
0xd0: {  	s17 =	sor.u32 @!p0 s17, s20  }
0xd1: {  	v2 =	vld.msk @!p0 [tilespmem:s17+$0x0], $0xff;
	_ =	sdelay $0x4  }
0xd2: {  	s17 =	smul.u32 @!p0 $0xAB, s16;
	v3 =	vshll.u32 @!p0 v2, $0x3  }
0xd3: {  	v4 =	vlaneseq.u32 @!p0;
	v2 =	vand.u32 @!p0 $0x7, v2;
	v3 =	vand.u32 @!p0 $0xFFFFFFC0, v3  }
0xd4: {  	s17 =	sshrl.u32 @!p0 s17, $0xA;
	v2 =	vor.u32 @!p0 v2, v3;
	v3 =	vand.u32 @!p0 $0x7, v4;
	v4 =	vshrl.u32 @!p0 v4, $0x3  }
0xd5: {  	s17 =	sand.u32 @!p0 $0x3F, s17;
	v2 =	vperm.xlane @!p0 v2, v3;
	v3 =	vmul.u32 @!p0 $0x8, v4  }
0xd6: {  	s17 =	smul.u32 @!p0 $0x6, s17  }
0xd7: {  	v2 =	vadd.s32 @!p0 v3, v2  }
0xd8: {  	s16 =	ssub.s32 @!p0 s16, s17  }
0xd9: {  	s16 =	sand.u32 @!p0 $0xFF, s16  }
0xda: {  	s16 =	sshll.u32 @!p0 s16, $0xD  }
0xdb: {  	vm1 =	vmmov @!p0 $0xffff;
	s20 =	simm.s32 @!p0 $0x0;
	s17 =	sor.u32 @!p0 $0x200, s16  }
0xdc: {  	[tilespmem:s17], [sflag:$0x1] =	stream.indirect_vreg.gather @!p0 [hbm4b:s1+s20], $0x80, v2, vm1, $0xb8;
	[tilespmem:$0x1C200] =	vst v63  }
0xdd: {  	s17 =	sor.u32 @!p0 $0xA00, s16  }
0xde: {  	[tilespmem:s17], [sflag:$0x1] =	stream.indirect_vreg.gather @!p0 [hbm4b:s10+s20], $0x80, v2, vm1, $0xb8;
	[tilespmem:$0x1C200] =	vst v63  }
0xdf: {  	s17 =	sor.u32 @!p0 $0x1200, s16  }
0xe0: {  	[tilespmem:s17], [sflag:$0x1] =	stream.indirect_vreg.gather @!p0 [hbm4b:s11+s20], $0x80, v2, vm1, $0xb8;
	[tilespmem:$0x1C200] =	vst v63  }
0xe1: {  	s16 =	sor.u32 @!p0 $0x1A00, s16  }
0xe2: {  	[tilespmem:s16], [sflag:$0x1] =	stream.indirect_vreg.gather @!p0 [hbm4b:s12+s20], $0x80, v2, vm1, $0xb8;
	[tilespmem:$0x1C200] =	vst v63  }
0xe3: {  	p0 =	sgt.u32 s2, $0x1B  }
0xe4: {  	p1 =	sne.s32 @!p0 s0, $0x1  }
0xe5: {  	p0 =	por p1, p0  }
0xe6: {  	s0 =	sadd.s32 @!p0 $0x1, s18  }
0xe7: {  	s16 =	sadd.s32 @!p0 s14, s0  }
0xe8: {  	s0 =	sshll.u32 @!p0 s0, $0xD;
	s16 =	sshll.u32 @!p0 s16, $0xA  }
0xe9: {  	s2 =	sadd.s32 $0x1, s2;
	s0 =	sand.u32 @!p0 $0x2000, s0;
	s16 =	sand.u32 @!p0 $0x1FFFFC00, s16  }
0xea: {  	s17 =	simm.s32 @!p0 $0x0;
	s0 =	sor.u32 @!p0 $0xC200, s0;
	s16 =	sadd.s32 @!p0 s3, s16  }
0xeb: {  	[tilespmem:s0], [sflag:$0x2] =	stream.linear.gather @!p0 [hbm4b:s16+s17], $0x2000, $0x38;
	[tilespmem:$0x1C200] =	vst v63  }
0xec: {  	p0 =	sne.s32 s2, $0x20  }
.Ltmp1:
0xed: {  	_ = 	snop;
	(pc) =	sbr.rel @p0 .LBB2_2-.Ltmp1, $1  }
0xee: {  	_ =	sdelay $0x3  }
0xef: {  	_ =	swait.ge [sflag:s19], $0x2000  }
0xf0: {  	[sflag:s19] =	ssyncset.done $0x0  }
0xf1: {  	[sflag:s19] =	ssyncadd.s32 $0xFFFFE000  }
0xf2: {  	_ =	swait.ge [sflag:s19], $0x2000  }
0xf3: {  	[sflag:s19] =	ssyncset.done $0x0  }
0xf4: {  	[sflag:s19] =	ssyncadd.s32 $0xFFFFE000  }
0xf5: {  	_ =	swait.ge [sflag:s19], $0x2000  }
0xf6: {  	[sflag:s19] =	ssyncset.done $0x0  }
0xf7: {  	[sflag:s19] =	ssyncadd.s32 $0xFFFFE000  }
0xf8: {  	_ =	swait.ge [sflag:s19], $0x2000  }
0xf9: {  	[sflag:s19] =	ssyncset.done $0x0  }
0xfa: {  	s31 =	sadd.s32 $0x1, s31;
	[sflag:s19] =	ssyncadd.s32 $0xFFFFE000  }
0xfb: {  	p0 =	sne.s32 s31, s15;
	_ =	swait.ge [sflag:s19], $0x2000  }
.Ltmp2:
0xfc: {  	[sflag:s19] =	ssyncset.done $0x0;
	(pc) =	sbr.rel @p0 .LBB2_1-.Ltmp2, $4  }
0xfd: {  	[sflag:s19] =	ssyncadd.s32 $0xFFFFE000  }
0xfe: {  	_ =	swait.ge [sflag:s19], $0x2000  }
0xff: {  	[sflag:s19] =	ssyncset.done $0x0  }
0x100: {  	[sflag:s19] =	ssyncadd.s32 $0xFFFFE000  }
0x101: {  	_ =	sfence.sel $0x180000  }
0x102: {  	[bflag:$0x0] =	sbarrier.arrive $0xFFFF  }
0x103: {  	_ =	strace $0x90000047  }
0x104: {  	s0 =	stileid.u32;
	[bflag:$0x2] =	sbarrier.arrive $0xFFFF  }
0x105: {  	p0 =	sne.s32 s0, $0x0;
	s0 =	rddreg [dreg:$0x4]  }
0x106: {  	s0 =	sadd.s32 @!p0 $0x100000, s0  }
0x107: {  	[sflag:s0] =	ssyncadd.tile.s32 @!p0 $0x1;
	_ =	shalt  }
.Lfunc_end2:
_tile_overlayer_lowered:
.L_overlay_start_2:
0x108: {  	(tag) =	ssettag $0x2  }
0x109: {  	s0 =	rddreg [dreg:$0x0];
	s2 =	stileid.u32  }
0x10a: {  	s1 =	rddreg [dreg:$0x1];
	p0 =	sne.s32 s2, $0x0  }
0x10b: {  	s3 =	rddreg [dreg:$0x2];
	[bflag:$0x3] =	sbarrier.arrive $0xFFFF;
	s2 =	simm.s32 @!p0 $0x1C04  }
0x10c: {  	[timem:s3], [sflag:s2] =	dma.local @!p0 [hbm:s0], s1  }
0x10d: {  	s0 =	simm.s32 @!p0 $0x4  }
0x10e: {  	_ =	swait.ge @!p0 [sflag:s0], s1  }
0x10f: {  	s1 =	ssub.s32 @!p0 $0x0, s1;
	[sflag:s0] =	ssyncset.done @!p0 $0x0  }
0x110: {  	[sflag:s0] =	ssyncadd.s32 @!p0 s1  }
0x111: {  	[bflag:$0x3] =	sbarrier.arrive $0xFFFF  }
0x112: {  	_ =	shalt  }

</sc_bundles>
